<compile_context>
chip_gen: v7x
topology: tpu7x:2x2x1
jax: 0.10.2.dev20260603
libtpu: 0.0.44.dev20260713+nightly
codegen_flags: <defaults>
</compile_context>

<pallas_src>
import functools

import jax
import jax.numpy as jnp
from jax import lax
from jax.experimental import pallas as pl
from jax.experimental.pallas import tpu as pltpu
from jax.experimental.pallas import tpu_sc as plsc

_N = 50000
_E = 800000
_D = 100
_H = 64

_NC = 2
_NS = 16
_L = 16

_NHALF = _N // _NC
_NDUMMY = 8
_RPT = 1568
_ACC_ROWS = _RPT * _NS
_RPT_LAST = _NHALF - (_NS - 1) * _RPT
_K = 80
_EPT = _E // _NS
_NCHUNK = _EPT // _K

_BLK = 2000


def _local_idx(dstv, liv, base, dummy):
    for i in range(_K // _L):
        d = dstv[pl.ds(i * _L, _L)]
        inr = jnp.logical_and(d >= base, d < base + _NHALF)
        liv[pl.ds(i * _L, _L)] = jnp.where(inr, d - base, dummy)


def _out_copy(acc, out_hbm, sid, r0, o0):
    @pl.when(sid < _NS - 1)
    def _():
        pltpu.sync_copy(acc.at[pl.ds(r0, _RPT)], out_hbm.at[pl.ds(o0, _RPT)])

    @pl.when(sid == _NS - 1)
    def _():
        pltpu.sync_copy(acc.at[pl.ds(r0, _RPT_LAST)],
                        out_hbm.at[pl.ds(o0, _RPT_LAST)])


def _segsum_body(y_hbm, src_hbm, dst_hbm, z64_hbm, out_hbm,
                 acc, srcv, dstv, liv, rows, sem):
    cid = lax.axis_index("c")
    sid = lax.axis_index("s")
    base = pl.multiple_of(cid * _NHALF, 8)
    r0 = pl.multiple_of(sid * _RPT, 8)

    pltpu.sync_copy(z64_hbm, acc.at[pl.ds(r0, _RPT)])
    plsc.subcore_barrier()

    e0 = pl.multiple_of(sid * _EPT, 8)
    lane = lax.iota(jnp.int32, _L)
    dummy = _NHALF + (lane & (_NDUMMY - 1))

    @pl.loop(0, _NCHUNK)
    def _chunk(j):
        off = pl.multiple_of(e0 + j * _K, 8)
        pltpu.sync_copy(src_hbm.at[pl.ds(off, _K)], srcv)
        pltpu.sync_copy(dst_hbm.at[pl.ds(off, _K)], dstv)
        _local_idx(dstv, liv, base, dummy)
        pltpu.async_copy(y_hbm.at[srcv], rows, sem).wait()
        pltpu.sync_copy(rows, acc.at[liv], add=True)

    plsc.subcore_barrier()
    _out_copy(acc, out_hbm, sid, r0, pl.multiple_of(base + r0, 8))


def _deg_body(dst_hbm, z16_hbm, ones_hbm, deg_hbm,
              degacc, dstv, liv, ones):
    cid = lax.axis_index("c")
    sid = lax.axis_index("s")
    base = pl.multiple_of(cid * _NHALF, 8)
    r0 = pl.multiple_of(sid * _RPT, 8)

    pltpu.sync_copy(z16_hbm, degacc.at[pl.ds(r0, _RPT)])
    pltpu.sync_copy(ones_hbm, ones)
    plsc.subcore_barrier()

    e0 = pl.multiple_of(sid * _EPT, 8)
    lane = lax.iota(jnp.int32, _L)
    dummy = _NHALF + (lane & (_NDUMMY - 1))

    @pl.loop(0, _NCHUNK)
    def _chunk(j):
        off = pl.multiple_of(e0 + j * _K, 8)
        pltpu.sync_copy(dst_hbm.at[pl.ds(off, _K)], dstv)
        _local_idx(dstv, liv, base, dummy)
        pltpu.sync_copy(ones, degacc.at[liv], add=True)

    plsc.subcore_barrier()
    _out_copy(degacc, deg_hbm, sid, r0, pl.multiple_of(base + r0, 8))


def _sc_mesh():
    return plsc.VectorSubcoreMesh(core_axis_name="c", subcore_axis_name="s",
                                  num_cores=_NC, num_subcores=_NS)


def _make_segsum():
    scratch = [
        pltpu.VMEM_SHARED((_ACC_ROWS, _H), jnp.float32),
        pltpu.VMEM((_K,), jnp.int32),
        pltpu.VMEM((_K,), jnp.int32),
        pltpu.VMEM((_K,), jnp.int32),
        pltpu.VMEM((_K, _H), jnp.float32),
        pltpu.SemaphoreType.DMA,
    ]
    return pl.kernel(_segsum_body,
                     out_type=jax.ShapeDtypeStruct((_N, _H), jnp.float32),
                     mesh=_sc_mesh(), scratch_types=scratch,
                     compiler_params=pltpu.CompilerParams(
                         use_tc_tiling_on_sc=False))


def _make_deg():
    scratch = [
        pltpu.VMEM_SHARED((_ACC_ROWS, _L), jnp.float32),
        pltpu.VMEM((_K,), jnp.int32),
        pltpu.VMEM((_K,), jnp.int32),
        pltpu.VMEM((_K, _L), jnp.float32),
    ]
    return pl.kernel(_deg_body,
                     out_type=jax.ShapeDtypeStruct((_N, _L), jnp.float32),
                     mesh=_sc_mesh(), scratch_types=scratch,
                     compiler_params=pltpu.CompilerParams(
                         use_tc_tiling_on_sc=False))



def _pre_body(x_ref, wl_ref, wr_ref, b_ref, y_ref, r_ref):
    x = x_ref[...]
    y_ref[...] = jnp.dot(x, wl_ref[...], preferred_element_type=jnp.float32)
    r_ref[...] = jnp.dot(x, wr_ref[...],
                         preferred_element_type=jnp.float32) + b_ref[...]


def _mid_body(s_ref, deg_ref, r_ref, wl_ref, wr_ref, b_ref,
              x1_ref, y2_ref, r2_ref):
    dinv = 1.0 / jnp.maximum(deg_ref[:, 0:1], 1.0)
    x1 = jnp.maximum(s_ref[...] * dinv + r_ref[...], 0.0)
    x1_ref[...] = x1
    y2_ref[...] = jnp.dot(x1, wl_ref[...], preferred_element_type=jnp.float32)
    r2_ref[...] = jnp.dot(x1, wr_ref[...],
                          preferred_element_type=jnp.float32) + b_ref[...]


def _lstm_step(xt, h, c, wih_t, whh_t, bsum):
    g = jnp.dot(xt, wih_t, preferred_element_type=jnp.float32) + bsum
    if h is not None:
        g = g + jnp.dot(h, whh_t, preferred_element_type=jnp.float32)
    i = jax.nn.sigmoid(g[:, 0 * _H:1 * _H])
    f = jax.nn.sigmoid(g[:, 1 * _H:2 * _H])
    gg = jnp.tanh(g[:, 2 * _H:3 * _H])
    o = jax.nn.sigmoid(g[:, 3 * _H:4 * _H])
    c_new = i * gg if c is None else f * c + i * gg
    h_new = o * jnp.tanh(c_new)
    return h_new, c_new


def _post_body(s_ref, deg_ref, r_ref, x1_ref,
               wihf_ref, whhf_ref, bf_ref, wihb_ref, whhb_ref, bb_ref,
               wa_ref, ba_ref, wjk_ref, bjk_ref, wl1_ref, bl1_ref,
               wl2_ref, bl2_ref, out_ref):
    dinv = 1.0 / jnp.maximum(deg_ref[:, 0:1], 1.0)
    x2 = jnp.maximum(s_ref[...] * dinv + r_ref[...], 0.0)
    x1 = x1_ref[...]

    bf = bf_ref[...]
    bb = bb_ref[...]
    hf1, cf1 = _lstm_step(x1, None, None, wihf_ref[...], None, bf)
    hf2, _ = _lstm_step(x2, hf1, cf1, wihf_ref[...], whhf_ref[...], bf)
    hb1, cb1 = _lstm_step(x2, None, None, wihb_ref[...], None, bb)
    hb2, _ = _lstm_step(x1, hb1, cb1, wihb_ref[...], whhb_ref[...], bb)

    wa = wa_ref[...]
    ba = ba_ref[...]
    lout0 = jnp.concatenate([hf1, hb2], axis=1)
    lout1 = jnp.concatenate([hf2, hb1], axis=1)
    l0 = jnp.dot(lout0, wa, preferred_element_type=jnp.float32) + ba
    l1 = jnp.dot(lout1, wa, preferred_element_type=jnp.float32) + ba
    m = jnp.maximum(l0, l1)
    e0 = jnp.exp(l0 - m)
    e1 = jnp.exp(l1 - m)
    inv = 1.0 / (e0 + e1)
    xj = x1 * (e0 * inv) + x2 * (e1 * inv)
    xj = jnp.dot(xj, wjk_ref[...],
                 preferred_element_type=jnp.float32) + bjk_ref[...]
    h1 = jnp.maximum(
        jnp.dot(xj, wl1_ref[...],
                preferred_element_type=jnp.float32) + bl1_ref[...], 0.0)
    out_ref[...] = jnp.maximum(
        jnp.dot(h1, wl2_ref[...],
                preferred_element_type=jnp.float32) + bl2_ref[...], 0.0)


def _row_spec(cols):
    return pl.BlockSpec((_BLK, cols), lambda i: (i, 0))


def _full_spec(shape):
    return pl.BlockSpec(shape, lambda i: (0,) * len(shape))


def _tc_pre(x, wl, wr, b):
    grid = (_N // _BLK,)
    return pl.pallas_call(
        _pre_body,
        grid=grid,
        in_specs=[_row_spec(_D), _full_spec((_D, _H)), _full_spec((_D, _H)),
                  _full_spec((1, _H))],
        out_specs=[_row_spec(_H), _row_spec(_H)],
        out_shape=[jax.ShapeDtypeStruct((_N, _H), jnp.float32)] * 2,
    )(x, wl, wr, b)


def _tc_mid(s, deg, r, wl, wr, b):
    grid = (_N // _BLK,)
    return pl.pallas_call(
        _mid_body,
        grid=grid,
        in_specs=[_row_spec(_H), _row_spec(_L), _row_spec(_H),
                  _full_spec((_H, _H)), _full_spec((_H, _H)),
                  _full_spec((1, _H))],
        out_specs=[_row_spec(_H)] * 3,
        out_shape=[jax.ShapeDtypeStruct((_N, _H), jnp.float32)] * 3,
    )(s, deg, r, wl, wr, b)


def _tc_post(s, deg, r, x1, wihf, whhf, bf, wihb, whhb, bb,
             wa, ba, wjk, bjk, wl1, bl1, wl2, bl2):
    grid = (_N // _BLK,)
    return pl.pallas_call(
        _post_body,
        grid=grid,
        in_specs=[_row_spec(_H), _row_spec(_L), _row_spec(_H), _row_spec(_H),
                  _full_spec((_H, 4 * _H)), _full_spec((_H, 4 * _H)),
                  _full_spec((1, 4 * _H)),
                  _full_spec((_H, 4 * _H)), _full_spec((_H, 4 * _H)),
                  _full_spec((1, 4 * _H)),
                  _full_spec((2 * _H, 1)), _full_spec((1, 1)),
                  _full_spec((_H, _H)), _full_spec((1, _H)),
                  _full_spec((_H, _H)), _full_spec((1, _H)),
                  _full_spec((_H, 1)), _full_spec((1, 1))],
        out_specs=pl.BlockSpec((_BLK, 1), lambda i: (i, 0)),
        out_shape=jax.ShapeDtypeStruct((_N, 1), jnp.float32),
    )(s, deg, r, x1, wihf, whhf, bf, wihb, whhb, bb,
      wa, ba, wjk, bjk, wl1, bl1, wl2, bl2)


def kernel(x, edge_index, W1l, W1r, b1, W2l, W2r, b2,
           Wih_f, Whh_f, bih_f, bhh_f, Wih_b, Whh_b, bih_b, bhh_b,
           Wa, ba, Wjk, bjk, Wl1, bl1, Wl2, bl2):
    src = edge_index[0].astype(jnp.int32)
    dst = edge_index[1].astype(jnp.int32)
    z64 = jnp.zeros((_RPT, _H), jnp.float32)
    z16 = jnp.zeros((_RPT, _L), jnp.float32)
    ones = jnp.ones((_K, _L), jnp.float32)

    deg = _make_deg()(dst, z16, ones)
    y1, r1 = _tc_pre(x, W1l, W1r, b1.reshape(1, _H))
    s1 = _make_segsum()(y1, src, dst, z64)
    x1, y2, r2 = _tc_mid(s1, deg, r1, W2l, W2r, b2.reshape(1, _H))
    s2 = _make_segsum()(y2, src, dst, z64)
    out = _tc_post(
        s2, deg, r2, x1,
        Wih_f.T, Whh_f.T, (bih_f + bhh_f).reshape(1, 4 * _H),
        Wih_b.T, Whh_b.T, (bih_b + bhh_b).reshape(1, 4 * _H),
        Wa, ba.reshape(1, 1), Wjk, bjk.reshape(1, _H),
        Wl1, bl1.reshape(1, _H), Wl2, bl2.reshape(1, 1))
    return out

# --- scband reference (transcript-rebuilt; emitter-appended) ---
"""Pipeline reference for scband-gsage-36309653521104 (READ-ONLY COPY).

The authoritative reference and input builder live on the scoring server;
editing this copy changes nothing except your own understanding.
"""

import jax, jax.numpy as jnp
import numpy as np

N = 50000
E = 800000
D = 100
H = 64

def _sage_conv(x, src, dst, Wl, Wr, b, n):
    msg = x[src]
    agg = jax.ops.segment_sum(msg, dst, num_segments=n)
    deg = jax.ops.segment_sum(jnp.ones((src.shape[0],), dtype=x.dtype), dst, num_segments=n)
    agg = agg / jnp.clip(deg, 1.0, None)[:, None]
    return agg @ Wl + x @ Wr + b

def _lstm_seq(seq, Wih, Whh, bih, bhh):
    n, L, C = seq.shape
    Hh = Whh.shape[1]
    h = jnp.zeros((n, Hh), dtype=seq.dtype)
    c = jnp.zeros((n, Hh), dtype=seq.dtype)
    outs = []
    for t in range(L):
        g = seq[:, t] @ Wih.T + h @ Whh.T + bih + bhh
        i, f, gg, o = jnp.split(g, 4, axis=1)
        i = jax.nn.sigmoid(i)
        f = jax.nn.sigmoid(f)
        gg = jnp.tanh(gg)
        o = jax.nn.sigmoid(o)
        c = f * c + i * gg
        h = o * jnp.tanh(c)
        outs.append(h)
    return jnp.stack(outs, axis=1)

def setup_inputs(seed: int = 0):
    key = jax.random.key(seed)
    ks = jax.random.split(key, 26)
    s = 0.1
    inp = {}
    inp["x"] = jax.random.normal(ks[0], (N, D), dtype=jnp.float32)
    inp["edge_index"] = jax.random.randint(ks[1], (2, E), 0, N)
    inp["W1l"] = jax.random.normal(ks[2], (D, H), dtype=jnp.float32) * s
    inp["W1r"] = jax.random.normal(ks[3], (D, H), dtype=jnp.float32) * s
    inp["b1"] = jax.random.normal(ks[4], (H,), dtype=jnp.float32) * s
    inp["W2l"] = jax.random.normal(ks[5], (H, H), dtype=jnp.float32) * s
    inp["W2r"] = jax.random.normal(ks[6], (H, H), dtype=jnp.float32) * s
    inp["b2"] = jax.random.normal(ks[7], (H,), dtype=jnp.float32) * s
    inp["Wih_f"] = jax.random.normal(ks[8], (4 * H, H), dtype=jnp.float32) * s
    inp["Whh_f"] = jax.random.normal(ks[9], (4 * H, H), dtype=jnp.float32) * s
    inp["bih_f"] = jax.random.normal(ks[10], (4 * H,), dtype=jnp.float32) * s
    inp["bhh_f"] = jax.random.normal(ks[11], (4 * H,), dtype=jnp.float32) * s
    inp["Wih_b"] = jax.random.normal(ks[12], (4 * H, H), dtype=jnp.float32) * s
    inp["Whh_b"] = jax.random.normal(ks[13], (4 * H, H), dtype=jnp.float32) * s
    inp["bih_b"] = jax.random.normal(ks[14], (4 * H,), dtype=jnp.float32) * s
    inp["bhh_b"] = jax.random.normal(ks[15], (4 * H,), dtype=jnp.float32) * s
    inp["Wa"] = jax.random.normal(ks[16], (2 * H, 1), dtype=jnp.float32) * s
    inp["ba"] = jax.random.normal(ks[17], (1,), dtype=jnp.float32) * s
    inp["Wjk"] = jax.random.normal(ks[18], (H, H), dtype=jnp.float32) * s
    inp["bjk"] = jax.random.normal(ks[19], (H,), dtype=jnp.float32) * s
    inp["Wl1"] = jax.random.normal(ks[20], (H, H), dtype=jnp.float32) * s
    inp["bl1"] = jax.random.normal(ks[21], (H,), dtype=jnp.float32) * s
    inp["Wl2"] = jax.random.normal(ks[22], (H, 1), dtype=jnp.float32) * s
    inp["bl2"] = jax.random.normal(ks[23], (1,), dtype=jnp.float32) * s
    return inp

def reference(x, edge_index, W1l, W1r, b1, W2l, W2r, b2, Wih_f, Whh_f, bih_f, bhh_f, Wih_b, Whh_b, bih_b, bhh_b, Wa, ba, Wjk, bjk, Wl1, bl1, Wl2, bl2):
    src = edge_index[0]
    dst = edge_index[1]
    x1 = jax.nn.relu(_sage_conv(x, src, dst, W1l, W1r, b1, N))
    x2 = jax.nn.relu(_sage_conv(x1, src, dst, W2l, W2r, b2, N))
    xs = jnp.stack([x1, x2], axis=1)
    fw = _lstm_seq(xs, Wih_f, Whh_f, bih_f, bhh_f)
    bw = _lstm_seq(xs[:, ::-1], Wih_b, Whh_b, bih_b, bhh_b)[:, ::-1]
    lout = jnp.concatenate([fw, bw], axis=-1)
    alpha = jax.nn.softmax((lout @ Wa + ba)[..., 0], axis=-1)
    xj = jnp.sum(xs * alpha[..., None], axis=1)
    xj = xj @ Wjk + bjk
    h1 = jax.nn.relu(xj @ Wl1 + bl1)
    out = jax.nn.relu(h1 @ Wl2 + bl2)
    return out

if __name__ == "__main__":
    import jax
    _d = setup_inputs()
    print(jax.jit(kernel)(*tuple(_d.values())))

</pallas_src>

<mosaic_0001>
#map = affine_map<(d0, d1) -> (0)>
#map1 = affine_map<(d0, d1) -> (0, 0)>
module attributes {stable_mosaic.version = 14 : i64} {
  func.func @_deg_body(%arg0: i32, %arg1: i32, %arg2: memref<800000xi32, #tpu.memory_space<hbm>>, %arg3: memref<1568x16xf32, #tpu.memory_space<hbm>>, %arg4: memref<80x16xf32, #tpu.memory_space<hbm>>, %arg5: memref<50000x16xf32, #tpu.memory_space<hbm>>, %arg6: memref<25088x16xf32, #tpu.memory_space<vmem_shared>>, %arg7: memref<80xi32, #tpu.memory_space<vmem>>, %arg8: memref<80xi32, #tpu.memory_space<vmem>>, %arg9: memref<80x16xf32, #tpu.memory_space<vmem>>) attributes {dimension_semantics = [#tpu.dimension_semantics<core_parallel>, #tpu.dimension_semantics<subcore_parallel>], iteration_bounds = array<i64: 2, 16>, scalar_prefetch = 0 : i64, scratch_operands = 4 : i64, tpu.core_type = #tpu.core_type<sc_vector_subcore>, window_params = [{transform_indices = #map}, {transform_indices = #map1}, {transform_indices = #map1}, {transform_indices = #map1}]} {
    %mul3A = arith.constant 25000 : i32
    %mul3A_0 = arith.muli %arg0, %mul3A : i32
    %multiple_of3A = tpu.assume_multiple %mul3A_0, 8 : i32
    %mul3A_1 = arith.constant 1568 : i32
    %mul3A_2 = arith.muli %arg1, %mul3A_1 : i32
    %multiple_of3A_3 = tpu.assume_multiple %mul3A_2, 8 : i32
    "tpu.region"() ({
      %run_scoped3A = tpu.sem_alloc : memref<!tpu.dma_semaphore, #tpu.memory_space<semaphore_mem>>
      %dma_start3A = arith.constant 0 : i32
      %dma_start3A_24 = tpu.memref_slice %arg6[%multiple_of3A_3, %dma_start3A] : memref<25088x16xf32, #tpu.memory_space<vmem_shared>> -> memref<1568x16xf32, #tpu.memory_space<vmem_shared>>
      tpu.enqueue_dma source(%arg3 : memref<1568x16xf32, #tpu.memory_space<hbm>>) target(%dma_start3A_24 : memref<1568x16xf32, #tpu.memory_space<vmem_shared>>) target_semaphore(%run_scoped3A : memref<!tpu.dma_semaphore, #tpu.memory_space<semaphore_mem>>)
      %dma_wait3A = arith.constant 0 : i32
      %dma_wait3A_25 = tpu.memref_slice %arg6[%multiple_of3A_3, %dma_wait3A] : memref<25088x16xf32, #tpu.memory_space<vmem_shared>> -> memref<1568x16xf32, #tpu.memory_space<vmem_shared>>
      tpu.wait_dma2 semaphore(%run_scoped3A : memref<!tpu.dma_semaphore, #tpu.memory_space<semaphore_mem>>) src(%arg3 : memref<1568x16xf32, #tpu.memory_space<hbm>>) dst(%dma_wait3A_25 : memref<1568x16xf32, #tpu.memory_space<vmem_shared>>)
      tpu.yield
    }) : () -> ()
    "tpu.region"() ({
      %run_scoped3A = tpu.sem_alloc : memref<!tpu.dma_semaphore, #tpu.memory_space<semaphore_mem>>
      tpu.enqueue_dma source(%arg4 : memref<80x16xf32, #tpu.memory_space<hbm>>) target(%arg9 : memref<80x16xf32, #tpu.memory_space<vmem>>) target_semaphore(%run_scoped3A : memref<!tpu.dma_semaphore, #tpu.memory_space<semaphore_mem>>)
      tpu.wait_dma2 semaphore(%run_scoped3A : memref<!tpu.dma_semaphore, #tpu.memory_space<semaphore_mem>>) src(%arg4 : memref<80x16xf32, #tpu.memory_space<hbm>>) dst(%arg9 : memref<80x16xf32, #tpu.memory_space<vmem>>)
      tpu.yield
    }) : () -> ()
    %barrier3A = arith.constant 0 : index
    tpu.barrier barrier_id(%barrier3A)
    %mul3A_4 = arith.constant 50000 : i32
    %mul3A_5 = arith.muli %arg1, %mul3A_4 : i32
    %multiple_of3A_6 = tpu.assume_multiple %mul3A_5, 8 : i32
    %iota3A = tpu.iota {dimensions = array<i32: 0>} : vector<16xi32>
    %and3A = arith.constant 7 : i32
    %and3A_7 = vector.broadcast %and3A : i32 to vector<16xi32>
    %and3A_8 = arith.andi %iota3A, %and3A_7 : vector<16xi32>
    %add3A = arith.constant 25000 : i32
    %add3A_9 = vector.broadcast %add3A : i32 to vector<16xi32>
    %add3A_10 = arith.addi %add3A_9, %and3A_8 : vector<16xi32>
    %scan3A = arith.constant 0 : i32
    %scan3A_11 = arith.constant 625 : i32
    %scan3A_12 = arith.addi %scan3A, %scan3A_11 : i32
    %scan3A_13 = arith.constant 1 : i32
    scf.for %scan3A_24 = %scan3A to %scan3A_12 step %scan3A_13  : i32 {
      %mul3A_25 = arith.constant 1 : i32
      %mul3A_26 = arith.muli %scan3A_24, %mul3A_25 : i32
      %add3A_27 = arith.constant 0 : i32
      %add3A_28 = arith.addi %add3A_27, %mul3A_26 : i32
      %mul3A_29 = arith.constant 80 : i32
      %mul3A_30 = arith.muli %add3A_28, %mul3A_29 : i32
      %add3A_31 = arith.addi %multiple_of3A_6, %mul3A_30 : i32
      %multiple_of3A_32 = tpu.assume_multiple %add3A_31, 8 : i32
      "tpu.region"() ({
        %run_scoped3A = tpu.sem_alloc : memref<!tpu.dma_semaphore, #tpu.memory_space<semaphore_mem>>
        %dma_start3A = tpu.memref_slice %arg2[%multiple_of3A_32] : memref<800000xi32, #tpu.memory_space<hbm>> -> memref<80xi32, #tpu.memory_space<hbm>>
        %dma_start3A_113 = tpu.memref_slice %arg2[%multiple_of3A_32] : memref<800000xi32, #tpu.memory_space<hbm>> -> memref<80xi32, #tpu.memory_space<hbm>>
        tpu.enqueue_dma source(%dma_start3A_113 : memref<80xi32, #tpu.memory_space<hbm>>) target(%arg7 : memref<80xi32, #tpu.memory_space<vmem>>) target_semaphore(%run_scoped3A : memref<!tpu.dma_semaphore, #tpu.memory_space<semaphore_mem>>)
        %dma_wait3A = tpu.memref_slice %arg2[%multiple_of3A_32] : memref<800000xi32, #tpu.memory_space<hbm>> -> memref<80xi32, #tpu.memory_space<hbm>>
        %dma_wait3A_114 = tpu.memref_slice %arg2[%multiple_of3A_32] : memref<800000xi32, #tpu.memory_space<hbm>> -> memref<80xi32, #tpu.memory_space<hbm>>
        tpu.wait_dma2 semaphore(%run_scoped3A : memref<!tpu.dma_semaphore, #tpu.memory_space<semaphore_mem>>) src(%dma_wait3A_114 : memref<80xi32, #tpu.memory_space<hbm>>) dst(%arg7 : memref<80xi32, #tpu.memory_space<vmem>>)
        tpu.yield
      }) : () -> ()
      %get3A = arith.constant 0 : index
      %get3A_33 = tpu.vector_load %arg7[%get3A] {strides = array<i32>} : memref<80xi32, #tpu.memory_space<vmem>>, vector<16xi32>,
      %get3A_34 = vector.shape_cast %get3A_33 : vector<16xi32> to vector<16xi32>
      %ge3A = vector.broadcast %multiple_of3A : i32 to vector<16xi32>
      %ge3A_35 = arith.cmpi sge, %get3A_34, %ge3A : vector<16xi32>
      %add3A_36 = arith.constant 25000 : i32
      %add3A_37 = arith.addi %multiple_of3A, %add3A_36 : i32
      %lt3A_38 = vector.broadcast %add3A_37 : i32 to vector<16xi32>
      %lt3A_39 = arith.cmpi slt, %get3A_34, %lt3A_38 : vector<16xi32>
      %and3A_40 = arith.andi %ge3A_35, %lt3A_39 : vector<16xi1>
      %sub3A = vector.broadcast %multiple_of3A : i32 to vector<16xi32>
      %sub3A_41 = arith.subi %get3A_34, %sub3A : vector<16xi32>
      %select_n3A = arith.select %and3A_40, %sub3A_41, %add3A_10 : vector<16xi1>, vector<16xi32>
      %swap3A = arith.constant 0 : index
      %swap3A_42 = tpu.vector_load %arg8[%swap3A] {strides = array<i32>} : memref<80xi32, #tpu.memory_space<vmem>>, vector<16xi32>,
      %swap3A_43 = vector.shape_cast %swap3A_42 : vector<16xi32> to vector<16xi32>
      %swap3A_44 = vector.shape_cast %select_n3A : vector<16xi32> to vector<16xi32>
      tpu.vector_store %arg8[%swap3A], %swap3A_44 {strides = array<i32>} : memref<80xi32, #tpu.memory_space<vmem>>, vector<16xi32>,
      %get3A_45 = arith.constant 16 : index
      %get3A_46 = tpu.vector_load %arg7[%get3A_45] {strides = array<i32>} : memref<80xi32, #tpu.memory_space<vmem>>, vector<16xi32>,
      %get3A_47 = vector.shape_cast %get3A_46 : vector<16xi32> to vector<16xi32>
      %ge3A_48 = vector.broadcast %multiple_of3A : i32 to vector<16xi32>
      %ge3A_49 = arith.cmpi sge, %get3A_47, %ge3A_48 : vector<16xi32>
      %add3A_50 = arith.constant 25000 : i32
      %add3A_51 = arith.addi %multiple_of3A, %add3A_50 : i32
      %lt3A_52 = vector.broadcast %add3A_51 : i32 to vector<16xi32>
      %lt3A_53 = arith.cmpi slt, %get3A_47, %lt3A_52 : vector<16xi32>
      %and3A_54 = arith.andi %ge3A_49, %lt3A_53 : vector<16xi1>
      %sub3A_55 = vector.broadcast %multiple_of3A : i32 to vector<16xi32>
      %sub3A_56 = arith.subi %get3A_47, %sub3A_55 : vector<16xi32>
      %select_n3A_57 = arith.select %and3A_54, %sub3A_56, %add3A_10 : vector<16xi1>, vector<16xi32>
      %swap3A_58 = arith.constant 16 : index
      %swap3A_59 = tpu.vector_load %arg8[%swap3A_58] {strides = array<i32>} : memref<80xi32, #tpu.memory_space<vmem>>, vector<16xi32>,
      %swap3A_60 = vector.shape_cast %swap3A_59 : vector<16xi32> to vector<16xi32>
      %swap3A_61 = vector.shape_cast %select_n3A_57 : vector<16xi32> to vector<16xi32>
      tpu.vector_store %arg8[%swap3A_58], %swap3A_61 {strides = array<i32>} : memref<80xi32, #tpu.memory_space<vmem>>, vector<16xi32>,
      %get3A_62 = arith.constant 32 : index
      %get3A_63 = tpu.vector_load %arg7[%get3A_62] {strides = array<i32>} : memref<80xi32, #tpu.memory_space<vmem>>, vector<16xi32>,
      %get3A_64 = vector.shape_cast %get3A_63 : vector<16xi32> to vector<16xi32>
      %ge3A_65 = vector.broadcast %multiple_of3A : i32 to vector<16xi32>
      %ge3A_66 = arith.cmpi sge, %get3A_64, %ge3A_65 : vector<16xi32>
      %add3A_67 = arith.constant 25000 : i32
      %add3A_68 = arith.addi %multiple_of3A, %add3A_67 : i32
      %lt3A_69 = vector.broadcast %add3A_68 : i32 to vector<16xi32>
      %lt3A_70 = arith.cmpi slt, %get3A_64, %lt3A_69 : vector<16xi32>
      %and3A_71 = arith.andi %ge3A_66, %lt3A_70 : vector<16xi1>
      %sub3A_72 = vector.broadcast %multiple_of3A : i32 to vector<16xi32>
      %sub3A_73 = arith.subi %get3A_64, %sub3A_72 : vector<16xi32>
      %select_n3A_74 = arith.select %and3A_71, %sub3A_73, %add3A_10 : vector<16xi1>, vector<16xi32>
      %swap3A_75 = arith.constant 32 : index
      %swap3A_76 = tpu.vector_load %arg8[%swap3A_75] {strides = array<i32>} : memref<80xi32, #tpu.memory_space<vmem>>, vector<16xi32>,
      %swap3A_77 = vector.shape_cast %swap3A_76 : vector<16xi32> to vector<16xi32>
      %swap3A_78 = vector.shape_cast %select_n3A_74 : vector<16xi32> to vector<16xi32>
      tpu.vector_store %arg8[%swap3A_75], %swap3A_78 {strides = array<i32>} : memref<80xi32, #tpu.memory_space<vmem>>, vector<16xi32>,
      %get3A_79 = arith.constant 48 : index
      %get3A_80 = tpu.vector_load %arg7[%get3A_79] {strides = array<i32>} : memref<80xi32, #tpu.memory_space<vmem>>, vector<16xi32>,
      %get3A_81 = vector.shape_cast %get3A_80 : vector<16xi32> to vector<16xi32>
      %ge3A_82 = vector.broadcast %multiple_of3A : i32 to vector<16xi32>
      %ge3A_83 = arith.cmpi sge, %get3A_81, %ge3A_82 : vector<16xi32>
      %add3A_84 = arith.constant 25000 : i32
      %add3A_85 = arith.addi %multiple_of3A, %add3A_84 : i32
      %lt3A_86 = vector.broadcast %add3A_85 : i32 to vector<16xi32>
      %lt3A_87 = arith.cmpi slt, %get3A_81, %lt3A_86 : vector<16xi32>
      %and3A_88 = arith.andi %ge3A_83, %lt3A_87 : vector<16xi1>
      %sub3A_89 = vector.broadcast %multiple_of3A : i32 to vector<16xi32>
      %sub3A_90 = arith.subi %get3A_81, %sub3A_89 : vector<16xi32>
      %select_n3A_91 = arith.select %and3A_88, %sub3A_90, %add3A_10 : vector<16xi1>, vector<16xi32>
      %swap3A_92 = arith.constant 48 : index
      %swap3A_93 = tpu.vector_load %arg8[%swap3A_92] {strides = array<i32>} : memref<80xi32, #tpu.memory_space<vmem>>, vector<16xi32>,
      %swap3A_94 = vector.shape_cast %swap3A_93 : vector<16xi32> to vector<16xi32>
      %swap3A_95 = vector.shape_cast %select_n3A_91 : vector<16xi32> to vector<16xi32>
      tpu.vector_store %arg8[%swap3A_92], %swap3A_95 {strides = array<i32>} : memref<80xi32, #tpu.memory_space<vmem>>, vector<16xi32>,
      %get3A_96 = arith.constant 64 : index
      %get3A_97 = tpu.vector_load %arg7[%get3A_96] {strides = array<i32>} : memref<80xi32, #tpu.memory_space<vmem>>, vector<16xi32>,
      %get3A_98 = vector.shape_cast %get3A_97 : vector<16xi32> to vector<16xi32>
      %ge3A_99 = vector.broadcast %multiple_of3A : i32 to vector<16xi32>
      %ge3A_100 = arith.cmpi sge, %get3A_98, %ge3A_99 : vector<16xi32>
      %add3A_101 = arith.constant 25000 : i32
      %add3A_102 = arith.addi %multiple_of3A, %add3A_101 : i32
      %lt3A_103 = vector.broadcast %add3A_102 : i32 to vector<16xi32>
      %lt3A_104 = arith.cmpi slt, %get3A_98, %lt3A_103 : vector<16xi32>
      %and3A_105 = arith.andi %ge3A_100, %lt3A_104 : vector<16xi1>
      %sub3A_106 = vector.broadcast %multiple_of3A : i32 to vector<16xi32>
      %sub3A_107 = arith.subi %get3A_98, %sub3A_106 : vector<16xi32>
      %select_n3A_108 = arith.select %and3A_105, %sub3A_107, %add3A_10 : vector<16xi1>, vector<16xi32>
      %swap3A_109 = arith.constant 64 : index
      %swap3A_110 = tpu.vector_load %arg8[%swap3A_109] {strides = array<i32>} : memref<80xi32, #tpu.memory_space<vmem>>, vector<16xi32>,
      %swap3A_111 = vector.shape_cast %swap3A_110 : vector<16xi32> to vector<16xi32>
      %swap3A_112 = vector.shape_cast %select_n3A_108 : vector<16xi32> to vector<16xi32>
      tpu.vector_store %arg8[%swap3A_109], %swap3A_112 {strides = array<i32>} : memref<80xi32, #tpu.memory_space<vmem>>, vector<16xi32>,
      "tpu.region"() ({
        %run_scoped3A = tpu.sem_alloc : memref<!tpu.dma_semaphore, #tpu.memory_space<semaphore_mem>>
        %dma_start3A = arith.constant 0 : i32
        %dma_start3A_113 = arith.constant 0 : i32
        %dma_start3A_114 = tpu.memref_slice %arg6[%dma_start3A, %dma_start3A_113] : memref<25088x16xf32, #tpu.memory_space<vmem_shared>> -> memref<25088x16xf32, #tpu.memory_space<vmem_shared>>
        tpu.enqueue_indirect_dma source(%arg9 : memref<80x16xf32, #tpu.memory_space<vmem>>) target(%dma_start3A_114 : memref<25088x16xf32, #tpu.memory_space<vmem_shared>>) offsets(%arg8 : memref<80xi32, #tpu.memory_space<vmem>>) semaphore(%run_scoped3A : memref<!tpu.dma_semaphore, #tpu.memory_space<semaphore_mem>>) {add = true}
        %dma_wait3A = arith.constant 0 : i32
        %dma_wait3A_115 = arith.constant 0 : i32
        %dma_wait3A_116 = tpu.memref_slice %arg6[%dma_wait3A, %dma_wait3A_115] : memref<25088x16xf32, #tpu.memory_space<vmem_shared>> -> memref<25088x16xf32, #tpu.memory_space<vmem_shared>>
        tpu.wait_indirect_dma semaphore(%run_scoped3A : memref<!tpu.dma_semaphore, #tpu.memory_space<semaphore_mem>>) src(%arg9 : memref<80x16xf32, #tpu.memory_space<vmem>>) dst(%dma_wait3A_116 : memref<25088x16xf32, #tpu.memory_space<vmem_shared>>)
        tpu.yield
      }) : () -> ()
    }
    %scan3A_14 = arith.constant 625 : i32
    %barrier3A_15 = arith.constant 0 : index
    tpu.barrier barrier_id(%barrier3A_15)
    %add3A_16 = arith.addi %multiple_of3A, %multiple_of3A_3 : i32
    %multiple_of3A_17 = tpu.assume_multiple %add3A_16, 8 : i32
    %lt3A = arith.constant 15 : i32
    %lt3A_18 = arith.cmpi slt, %arg1, %lt3A : i32
    %convert_element_type3A = arith.extui %lt3A_18 : i1 to i32
    %cond3A = arith.constant 0 : i32
    %cond3A_19 = arith.cmpi ne, %convert_element_type3A, %cond3A : i32
    scf.if %cond3A_19 {
      "tpu.region"() ({
        %run_scoped3A = tpu.sem_alloc : memref<!tpu.dma_semaphore, #tpu.memory_space<semaphore_mem>>
        %dma_start3A = arith.constant 0 : i32
        %dma_start3A_24 = tpu.memref_slice %arg5[%multiple_of3A_17, %dma_start3A] : memref<50000x16xf32, #tpu.memory_space<hbm>> -> memref<1568x16xf32, #tpu.memory_space<hbm>>
        %dma_start3A_25 = arith.constant 0 : i32
        %dma_start3A_26 = tpu.memref_slice %arg6[%multiple_of3A_3, %dma_start3A_25] : memref<25088x16xf32, #tpu.memory_space<vmem_shared>> -> memref<1568x16xf32, #tpu.memory_space<vmem_shared>>
        tpu.enqueue_dma source(%dma_start3A_26 : memref<1568x16xf32, #tpu.memory_space<vmem_shared>>) target(%dma_start3A_24 : memref<1568x16xf32, #tpu.memory_space<hbm>>) target_semaphore(%run_scoped3A : memref<!tpu.dma_semaphore, #tpu.memory_space<semaphore_mem>>)
        %dma_wait3A = arith.constant 0 : i32
        %dma_wait3A_27 = tpu.memref_slice %arg5[%multiple_of3A_17, %dma_wait3A] : memref<50000x16xf32, #tpu.memory_space<hbm>> -> memref<1568x16xf32, #tpu.memory_space<hbm>>
        %dma_wait3A_28 = arith.constant 0 : i32
        %dma_wait3A_29 = tpu.memref_slice %arg6[%multiple_of3A_3, %dma_wait3A_28] : memref<25088x16xf32, #tpu.memory_space<vmem_shared>> -> memref<1568x16xf32, #tpu.memory_space<vmem_shared>>
        tpu.wait_dma2 semaphore(%run_scoped3A : memref<!tpu.dma_semaphore, #tpu.memory_space<semaphore_mem>>) src(%dma_wait3A_29 : memref<1568x16xf32, #tpu.memory_space<vmem_shared>>) dst(%dma_wait3A_27 : memref<1568x16xf32, #tpu.memory_space<hbm>>)
        tpu.yield
      }) : () -> ()
    } else {
    }
    %eq3A = arith.constant 15 : i32
    %eq3A_20 = arith.cmpi eq, %arg1, %eq3A : i32
    %convert_element_type3A_21 = arith.extui %eq3A_20 : i1 to i32
    %cond3A_22 = arith.constant 0 : i32
    %cond3A_23 = arith.cmpi ne, %convert_element_type3A_21, %cond3A_22 : i32
    scf.if %cond3A_23 {
      "tpu.region"() ({
        %run_scoped3A = tpu.sem_alloc : memref<!tpu.dma_semaphore, #tpu.memory_space<semaphore_mem>>
        %dma_start3A = arith.constant 0 : i32
        %dma_start3A_24 = tpu.memref_slice %arg5[%multiple_of3A_17, %dma_start3A] : memref<50000x16xf32, #tpu.memory_space<hbm>> -> memref<1480x16xf32, #tpu.memory_space<hbm>>
        %dma_start3A_25 = arith.constant 0 : i32
        %dma_start3A_26 = tpu.memref_slice %arg6[%multiple_of3A_3, %dma_start3A_25] : memref<25088x16xf32, #tpu.memory_space<vmem_shared>> -> memref<1480x16xf32, #tpu.memory_space<vmem_shared>>
        tpu.enqueue_dma source(%dma_start3A_26 : memref<1480x16xf32, #tpu.memory_space<vmem_shared>>) target(%dma_start3A_24 : memref<1480x16xf32, #tpu.memory_space<hbm>>) target_semaphore(%run_scoped3A : memref<!tpu.dma_semaphore, #tpu.memory_space<semaphore_mem>>)
        %dma_wait3A = arith.constant 0 : i32
        %dma_wait3A_27 = tpu.memref_slice %arg5[%multiple_of3A_17, %dma_wait3A] : memref<50000x16xf32, #tpu.memory_space<hbm>> -> memref<1480x16xf32, #tpu.memory_space<hbm>>
        %dma_wait3A_28 = arith.constant 0 : i32
        %dma_wait3A_29 = tpu.memref_slice %arg6[%multiple_of3A_3, %dma_wait3A_28] : memref<25088x16xf32, #tpu.memory_space<vmem_shared>> -> memref<1480x16xf32, #tpu.memory_space<vmem_shared>>
        tpu.wait_dma2 semaphore(%run_scoped3A : memref<!tpu.dma_semaphore, #tpu.memory_space<semaphore_mem>>) src(%dma_wait3A_29 : memref<1480x16xf32, #tpu.memory_space<vmem_shared>>) dst(%dma_wait3A_27 : memref<1480x16xf32, #tpu.memory_space<hbm>>)
        tpu.yield
      }) : () -> ()
    } else {
    }
    return
  }
}

#map = affine_map<(d0, d1) -> (0, 0)>
#map1 = affine_map<(d0, d1) -> (0)>
module attributes {stable_mosaic.version = 14 : i64} {
  func.func @_segsum_body(%arg0: i32, %arg1: i32, %arg2: memref<50000x64xf32, #tpu.memory_space<hbm>>, %arg3: memref<800000xi32, #tpu.memory_space<hbm>>, %arg4: memref<800000xi32, #tpu.memory_space<hbm>>, %arg5: memref<1568x64xf32, #tpu.memory_space<hbm>>, %arg6: memref<50000x64xf32, #tpu.memory_space<hbm>>, %arg7: memref<25088x64xf32, #tpu.memory_space<vmem_shared>>, %arg8: memref<80xi32, #tpu.memory_space<vmem>>, %arg9: memref<80xi32, #tpu.memory_space<vmem>>, %arg10: memref<80xi32, #tpu.memory_space<vmem>>, %arg11: memref<80x64xf32, #tpu.memory_space<vmem>>, %arg12: memref<!tpu.dma_semaphore, #tpu.memory_space<semaphore_mem>>) attributes {dimension_semantics = [#tpu.dimension_semantics<core_parallel>, #tpu.dimension_semantics<subcore_parallel>], iteration_bounds = array<i64: 2, 16>, scalar_prefetch = 0 : i64, scratch_operands = 6 : i64, tpu.core_type = #tpu.core_type<sc_vector_subcore>, window_params = [{transform_indices = #map}, {transform_indices = #map1}, {transform_indices = #map1}, {transform_indices = #map}, {transform_indices = #map}]} {
    %mul3A = arith.constant 25000 : i32
    %mul3A_0 = arith.muli %arg0, %mul3A : i32
    %multiple_of3A = tpu.assume_multiple %mul3A_0, 8 : i32
    %mul3A_1 = arith.constant 1568 : i32
    %mul3A_2 = arith.muli %arg1, %mul3A_1 : i32
    %multiple_of3A_3 = tpu.assume_multiple %mul3A_2, 8 : i32
    "tpu.region"() ({
      %run_scoped3A = tpu.sem_alloc : memref<!tpu.dma_semaphore, #tpu.memory_space<semaphore_mem>>
      %dma_start3A = arith.constant 0 : i32
      %dma_start3A_24 = tpu.memref_slice %arg7[%multiple_of3A_3, %dma_start3A] : memref<25088x64xf32, #tpu.memory_space<vmem_shared>> -> memref<1568x64xf32, #tpu.memory_space<vmem_shared>>
      tpu.enqueue_dma source(%arg5 : memref<1568x64xf32, #tpu.memory_space<hbm>>) target(%dma_start3A_24 : memref<1568x64xf32, #tpu.memory_space<vmem_shared>>) target_semaphore(%run_scoped3A : memref<!tpu.dma_semaphore, #tpu.memory_space<semaphore_mem>>)
      %dma_wait3A = arith.constant 0 : i32
      %dma_wait3A_25 = tpu.memref_slice %arg7[%multiple_of3A_3, %dma_wait3A] : memref<25088x64xf32, #tpu.memory_space<vmem_shared>> -> memref<1568x64xf32, #tpu.memory_space<vmem_shared>>
      tpu.wait_dma2 semaphore(%run_scoped3A : memref<!tpu.dma_semaphore, #tpu.memory_space<semaphore_mem>>) src(%arg5 : memref<1568x64xf32, #tpu.memory_space<hbm>>) dst(%dma_wait3A_25 : memref<1568x64xf32, #tpu.memory_space<vmem_shared>>)
      tpu.yield
    }) : () -> ()
    %barrier3A = arith.constant 0 : index
    tpu.barrier barrier_id(%barrier3A)
    %mul3A_4 = arith.constant 50000 : i32
    %mul3A_5 = arith.muli %arg1, %mul3A_4 : i32
    %multiple_of3A_6 = tpu.assume_multiple %mul3A_5, 8 : i32
    %iota3A = tpu.iota {dimensions = array<i32: 0>} : vector<16xi32>
    %and3A = arith.constant 7 : i32
    %and3A_7 = vector.broadcast %and3A : i32 to vector<16xi32>
    %and3A_8 = arith.andi %iota3A, %and3A_7 : vector<16xi32>
    %add3A = arith.constant 25000 : i32
    %add3A_9 = vector.broadcast %add3A : i32 to vector<16xi32>
    %add3A_10 = arith.addi %add3A_9, %and3A_8 : vector<16xi32>
    %scan3A = arith.constant 0 : i32
    %scan3A_11 = arith.constant 625 : i32
    %scan3A_12 = arith.addi %scan3A, %scan3A_11 : i32
    %scan3A_13 = arith.constant 1 : i32
    scf.for %scan3A_24 = %scan3A to %scan3A_12 step %scan3A_13  : i32 {
      %mul3A_25 = arith.constant 1 : i32
      %mul3A_26 = arith.muli %scan3A_24, %mul3A_25 : i32
      %add3A_27 = arith.constant 0 : i32
      %add3A_28 = arith.addi %add3A_27, %mul3A_26 : i32
      %mul3A_29 = arith.constant 80 : i32
      %mul3A_30 = arith.muli %add3A_28, %mul3A_29 : i32
      %add3A_31 = arith.addi %multiple_of3A_6, %mul3A_30 : i32
      %multiple_of3A_32 = tpu.assume_multiple %add3A_31, 8 : i32
      "tpu.region"() ({
        %run_scoped3A = tpu.sem_alloc : memref<!tpu.dma_semaphore, #tpu.memory_space<semaphore_mem>>
        %dma_start3A_117 = tpu.memref_slice %arg3[%multiple_of3A_32] : memref<800000xi32, #tpu.memory_space<hbm>> -> memref<80xi32, #tpu.memory_space<hbm>>
        %dma_start3A_118 = tpu.memref_slice %arg3[%multiple_of3A_32] : memref<800000xi32, #tpu.memory_space<hbm>> -> memref<80xi32, #tpu.memory_space<hbm>>
        tpu.enqueue_dma source(%dma_start3A_118 : memref<80xi32, #tpu.memory_space<hbm>>) target(%arg8 : memref<80xi32, #tpu.memory_space<vmem>>) target_semaphore(%run_scoped3A : memref<!tpu.dma_semaphore, #tpu.memory_space<semaphore_mem>>)
        %dma_wait3A_119 = tpu.memref_slice %arg3[%multiple_of3A_32] : memref<800000xi32, #tpu.memory_space<hbm>> -> memref<80xi32, #tpu.memory_space<hbm>>
        %dma_wait3A_120 = tpu.memref_slice %arg3[%multiple_of3A_32] : memref<800000xi32, #tpu.memory_space<hbm>> -> memref<80xi32, #tpu.memory_space<hbm>>
        tpu.wait_dma2 semaphore(%run_scoped3A : memref<!tpu.dma_semaphore, #tpu.memory_space<semaphore_mem>>) src(%dma_wait3A_120 : memref<80xi32, #tpu.memory_space<hbm>>) dst(%arg8 : memref<80xi32, #tpu.memory_space<vmem>>)
        tpu.yield
      }) : () -> ()
      "tpu.region"() ({
        %run_scoped3A = tpu.sem_alloc : memref<!tpu.dma_semaphore, #tpu.memory_space<semaphore_mem>>
        %dma_start3A_117 = tpu.memref_slice %arg4[%multiple_of3A_32] : memref<800000xi32, #tpu.memory_space<hbm>> -> memref<80xi32, #tpu.memory_space<hbm>>
        %dma_start3A_118 = tpu.memref_slice %arg4[%multiple_of3A_32] : memref<800000xi32, #tpu.memory_space<hbm>> -> memref<80xi32, #tpu.memory_space<hbm>>
        tpu.enqueue_dma source(%dma_start3A_118 : memref<80xi32, #tpu.memory_space<hbm>>) target(%arg9 : memref<80xi32, #tpu.memory_space<vmem>>) target_semaphore(%run_scoped3A : memref<!tpu.dma_semaphore, #tpu.memory_space<semaphore_mem>>)
        %dma_wait3A_119 = tpu.memref_slice %arg4[%multiple_of3A_32] : memref<800000xi32, #tpu.memory_space<hbm>> -> memref<80xi32, #tpu.memory_space<hbm>>
        %dma_wait3A_120 = tpu.memref_slice %arg4[%multiple_of3A_32] : memref<800000xi32, #tpu.memory_space<hbm>> -> memref<80xi32, #tpu.memory_space<hbm>>
        tpu.wait_dma2 semaphore(%run_scoped3A : memref<!tpu.dma_semaphore, #tpu.memory_space<semaphore_mem>>) src(%dma_wait3A_120 : memref<80xi32, #tpu.memory_space<hbm>>) dst(%arg9 : memref<80xi32, #tpu.memory_space<vmem>>)
        tpu.yield
      }) : () -> ()
      %get3A = arith.constant 0 : index
      %get3A_33 = tpu.vector_load %arg9[%get3A] {strides = array<i32>} : memref<80xi32, #tpu.memory_space<vmem>>, vector<16xi32>,
      %get3A_34 = vector.shape_cast %get3A_33 : vector<16xi32> to vector<16xi32>
      %ge3A = vector.broadcast %multiple_of3A : i32 to vector<16xi32>
      %ge3A_35 = arith.cmpi sge, %get3A_34, %ge3A : vector<16xi32>
      %add3A_36 = arith.constant 25000 : i32
      %add3A_37 = arith.addi %multiple_of3A, %add3A_36 : i32
      %lt3A_38 = vector.broadcast %add3A_37 : i32 to vector<16xi32>
      %lt3A_39 = arith.cmpi slt, %get3A_34, %lt3A_38 : vector<16xi32>
      %and3A_40 = arith.andi %ge3A_35, %lt3A_39 : vector<16xi1>
      %sub3A = vector.broadcast %multiple_of3A : i32 to vector<16xi32>
      %sub3A_41 = arith.subi %get3A_34, %sub3A : vector<16xi32>
      %select_n3A = arith.select %and3A_40, %sub3A_41, %add3A_10 : vector<16xi1>, vector<16xi32>
      %swap3A = arith.constant 0 : index
      %swap3A_42 = tpu.vector_load %arg10[%swap3A] {strides = array<i32>} : memref<80xi32, #tpu.memory_space<vmem>>, vector<16xi32>,
      %swap3A_43 = vector.shape_cast %swap3A_42 : vector<16xi32> to vector<16xi32>
      %swap3A_44 = vector.shape_cast %select_n3A : vector<16xi32> to vector<16xi32>
      tpu.vector_store %arg10[%swap3A], %swap3A_44 {strides = array<i32>} : memref<80xi32, #tpu.memory_space<vmem>>, vector<16xi32>,
      %get3A_45 = arith.constant 16 : index
      %get3A_46 = tpu.vector_load %arg9[%get3A_45] {strides = array<i32>} : memref<80xi32, #tpu.memory_space<vmem>>, vector<16xi32>,
      %get3A_47 = vector.shape_cast %get3A_46 : vector<16xi32> to vector<16xi32>
      %ge3A_48 = vector.broadcast %multiple_of3A : i32 to vector<16xi32>
      %ge3A_49 = arith.cmpi sge, %get3A_47, %ge3A_48 : vector<16xi32>
      %add3A_50 = arith.constant 25000 : i32
      %add3A_51 = arith.addi %multiple_of3A, %add3A_50 : i32
      %lt3A_52 = vector.broadcast %add3A_51 : i32 to vector<16xi32>
      %lt3A_53 = arith.cmpi slt, %get3A_47, %lt3A_52 : vector<16xi32>
      %and3A_54 = arith.andi %ge3A_49, %lt3A_53 : vector<16xi1>
      %sub3A_55 = vector.broadcast %multiple_of3A : i32 to vector<16xi32>
      %sub3A_56 = arith.subi %get3A_47, %sub3A_55 : vector<16xi32>
      %select_n3A_57 = arith.select %and3A_54, %sub3A_56, %add3A_10 : vector<16xi1>, vector<16xi32>
      %swap3A_58 = arith.constant 16 : index
      %swap3A_59 = tpu.vector_load %arg10[%swap3A_58] {strides = array<i32>} : memref<80xi32, #tpu.memory_space<vmem>>, vector<16xi32>,
      %swap3A_60 = vector.shape_cast %swap3A_59 : vector<16xi32> to vector<16xi32>
      %swap3A_61 = vector.shape_cast %select_n3A_57 : vector<16xi32> to vector<16xi32>
      tpu.vector_store %arg10[%swap3A_58], %swap3A_61 {strides = array<i32>} : memref<80xi32, #tpu.memory_space<vmem>>, vector<16xi32>,
      %get3A_62 = arith.constant 32 : index
      %get3A_63 = tpu.vector_load %arg9[%get3A_62] {strides = array<i32>} : memref<80xi32, #tpu.memory_space<vmem>>, vector<16xi32>,
      %get3A_64 = vector.shape_cast %get3A_63 : vector<16xi32> to vector<16xi32>
      %ge3A_65 = vector.broadcast %multiple_of3A : i32 to vector<16xi32>
      %ge3A_66 = arith.cmpi sge, %get3A_64, %ge3A_65 : vector<16xi32>
      %add3A_67 = arith.constant 25000 : i32
      %add3A_68 = arith.addi %multiple_of3A, %add3A_67 : i32
      %lt3A_69 = vector.broadcast %add3A_68 : i32 to vector<16xi32>
      %lt3A_70 = arith.cmpi slt, %get3A_64, %lt3A_69 : vector<16xi32>
      %and3A_71 = arith.andi %ge3A_66, %lt3A_70 : vector<16xi1>
      %sub3A_72 = vector.broadcast %multiple_of3A : i32 to vector<16xi32>
      %sub3A_73 = arith.subi %get3A_64, %sub3A_72 : vector<16xi32>
      %select_n3A_74 = arith.select %and3A_71, %sub3A_73, %add3A_10 : vector<16xi1>, vector<16xi32>
      %swap3A_75 = arith.constant 32 : index
      %swap3A_76 = tpu.vector_load %arg10[%swap3A_75] {strides = array<i32>} : memref<80xi32, #tpu.memory_space<vmem>>, vector<16xi32>,
      %swap3A_77 = vector.shape_cast %swap3A_76 : vector<16xi32> to vector<16xi32>
      %swap3A_78 = vector.shape_cast %select_n3A_74 : vector<16xi32> to vector<16xi32>
      tpu.vector_store %arg10[%swap3A_75], %swap3A_78 {strides = array<i32>} : memref<80xi32, #tpu.memory_space<vmem>>, vector<16xi32>,
      %get3A_79 = arith.constant 48 : index
      %get3A_80 = tpu.vector_load %arg9[%get3A_79] {strides = array<i32>} : memref<80xi32, #tpu.memory_space<vmem>>, vector<16xi32>,
      %get3A_81 = vector.shape_cast %get3A_80 : vector<16xi32> to vector<16xi32>
      %ge3A_82 = vector.broadcast %multiple_of3A : i32 to vector<16xi32>
      %ge3A_83 = arith.cmpi sge, %get3A_81, %ge3A_82 : vector<16xi32>
      %add3A_84 = arith.constant 25000 : i32
      %add3A_85 = arith.addi %multiple_of3A, %add3A_84 : i32
      %lt3A_86 = vector.broadcast %add3A_85 : i32 to vector<16xi32>
      %lt3A_87 = arith.cmpi slt, %get3A_81, %lt3A_86 : vector<16xi32>
      %and3A_88 = arith.andi %ge3A_83, %lt3A_87 : vector<16xi1>
      %sub3A_89 = vector.broadcast %multiple_of3A : i32 to vector<16xi32>
      %sub3A_90 = arith.subi %get3A_81, %sub3A_89 : vector<16xi32>
      %select_n3A_91 = arith.select %and3A_88, %sub3A_90, %add3A_10 : vector<16xi1>, vector<16xi32>
      %swap3A_92 = arith.constant 48 : index
      %swap3A_93 = tpu.vector_load %arg10[%swap3A_92] {strides = array<i32>} : memref<80xi32, #tpu.memory_space<vmem>>, vector<16xi32>,
      %swap3A_94 = vector.shape_cast %swap3A_93 : vector<16xi32> to vector<16xi32>
      %swap3A_95 = vector.shape_cast %select_n3A_91 : vector<16xi32> to vector<16xi32>
      tpu.vector_store %arg10[%swap3A_92], %swap3A_95 {strides = array<i32>} : memref<80xi32, #tpu.memory_space<vmem>>, vector<16xi32>,
      %get3A_96 = arith.constant 64 : index
      %get3A_97 = tpu.vector_load %arg9[%get3A_96] {strides = array<i32>} : memref<80xi32, #tpu.memory_space<vmem>>, vector<16xi32>,
      %get3A_98 = vector.shape_cast %get3A_97 : vector<16xi32> to vector<16xi32>
      %ge3A_99 = vector.broadcast %multiple_of3A : i32 to vector<16xi32>
      %ge3A_100 = arith.cmpi sge, %get3A_98, %ge3A_99 : vector<16xi32>
      %add3A_101 = arith.constant 25000 : i32
      %add3A_102 = arith.addi %multiple_of3A, %add3A_101 : i32
      %lt3A_103 = vector.broadcast %add3A_102 : i32 to vector<16xi32>
      %lt3A_104 = arith.cmpi slt, %get3A_98, %lt3A_103 : vector<16xi32>
      %and3A_105 = arith.andi %ge3A_100, %lt3A_104 : vector<16xi1>
      %sub3A_106 = vector.broadcast %multiple_of3A : i32 to vector<16xi32>
      %sub3A_107 = arith.subi %get3A_98, %sub3A_106 : vector<16xi32>
      %select_n3A_108 = arith.select %and3A_105, %sub3A_107, %add3A_10 : vector<16xi1>, vector<16xi32>
      %swap3A_109 = arith.constant 64 : index
      %swap3A_110 = tpu.vector_load %arg10[%swap3A_109] {strides = array<i32>} : memref<80xi32, #tpu.memory_space<vmem>>, vector<16xi32>,
      %swap3A_111 = vector.shape_cast %swap3A_110 : vector<16xi32> to vector<16xi32>
      %swap3A_112 = vector.shape_cast %select_n3A_108 : vector<16xi32> to vector<16xi32>
      tpu.vector_store %arg10[%swap3A_109], %swap3A_112 {strides = array<i32>} : memref<80xi32, #tpu.memory_space<vmem>>, vector<16xi32>,
      %dma_start3A = arith.constant 0 : i32
      %dma_start3A_113 = arith.constant 0 : i32
      %dma_start3A_114 = tpu.memref_slice %arg2[%dma_start3A, %dma_start3A_113] : memref<50000x64xf32, #tpu.memory_space<hbm>> -> memref<50000x64xf32, #tpu.memory_space<hbm>>
      tpu.enqueue_indirect_dma source(%dma_start3A_114 : memref<50000x64xf32, #tpu.memory_space<hbm>>) target(%arg11 : memref<80x64xf32, #tpu.memory_space<vmem>>) offsets(%arg8 : memref<80xi32, #tpu.memory_space<vmem>>) semaphore(%arg12 : memref<!tpu.dma_semaphore, #tpu.memory_space<semaphore_mem>>)
      %dma_wait3A = arith.constant 0 : i32
      %dma_wait3A_115 = arith.constant 0 : i32
      %dma_wait3A_116 = tpu.memref_slice %arg2[%dma_wait3A, %dma_wait3A_115] : memref<50000x64xf32, #tpu.memory_space<hbm>> -> memref<50000x64xf32, #tpu.memory_space<hbm>>
      tpu.wait_indirect_dma semaphore(%arg12 : memref<!tpu.dma_semaphore, #tpu.memory_space<semaphore_mem>>) src(%dma_wait3A_116 : memref<50000x64xf32, #tpu.memory_space<hbm>>) dst(%arg11 : memref<80x64xf32, #tpu.memory_space<vmem>>)
      "tpu.region"() ({
        %run_scoped3A = tpu.sem_alloc : memref<!tpu.dma_semaphore, #tpu.memory_space<semaphore_mem>>
        %dma_start3A_117 = arith.constant 0 : i32
        %dma_start3A_118 = arith.constant 0 : i32
        %dma_start3A_119 = tpu.memref_slice %arg7[%dma_start3A_117, %dma_start3A_118] : memref<25088x64xf32, #tpu.memory_space<vmem_shared>> -> memref<25088x64xf32, #tpu.memory_space<vmem_shared>>
        tpu.enqueue_indirect_dma source(%arg11 : memref<80x64xf32, #tpu.memory_space<vmem>>) target(%dma_start3A_119 : memref<25088x64xf32, #tpu.memory_space<vmem_shared>>) offsets(%arg10 : memref<80xi32, #tpu.memory_space<vmem>>) semaphore(%run_scoped3A : memref<!tpu.dma_semaphore, #tpu.memory_space<semaphore_mem>>) {add = true}
        %dma_wait3A_120 = arith.constant 0 : i32
        %dma_wait3A_121 = arith.constant 0 : i32
        %dma_wait3A_122 = tpu.memref_slice %arg7[%dma_wait3A_120, %dma_wait3A_121] : memref<25088x64xf32, #tpu.memory_space<vmem_shared>> -> memref<25088x64xf32, #tpu.memory_space<vmem_shared>>
        tpu.wait_indirect_dma semaphore(%run_scoped3A : memref<!tpu.dma_semaphore, #tpu.memory_space<semaphore_mem>>) src(%arg11 : memref<80x64xf32, #tpu.memory_space<vmem>>) dst(%dma_wait3A_122 : memref<25088x64xf32, #tpu.memory_space<vmem_shared>>)
        tpu.yield
      }) : () -> ()
    }
    %scan3A_14 = arith.constant 625 : i32
    %barrier3A_15 = arith.constant 0 : index
    tpu.barrier barrier_id(%barrier3A_15)
    %add3A_16 = arith.addi %multiple_of3A, %multiple_of3A_3 : i32
    %multiple_of3A_17 = tpu.assume_multiple %add3A_16, 8 : i32
    %lt3A = arith.constant 15 : i32
    %lt3A_18 = arith.cmpi slt, %arg1, %lt3A : i32
    %convert_element_type3A = arith.extui %lt3A_18 : i1 to i32
    %cond3A = arith.constant 0 : i32
    %cond3A_19 = arith.cmpi ne, %convert_element_type3A, %cond3A : i32
    scf.if %cond3A_19 {
      "tpu.region"() ({
        %run_scoped3A = tpu.sem_alloc : memref<!tpu.dma_semaphore, #tpu.memory_space<semaphore_mem>>
        %dma_start3A = arith.constant 0 : i32
        %dma_start3A_24 = tpu.memref_slice %arg6[%multiple_of3A_17, %dma_start3A] : memref<50000x64xf32, #tpu.memory_space<hbm>> -> memref<1568x64xf32, #tpu.memory_space<hbm>>
        %dma_start3A_25 = arith.constant 0 : i32
        %dma_start3A_26 = tpu.memref_slice %arg7[%multiple_of3A_3, %dma_start3A_25] : memref<25088x64xf32, #tpu.memory_space<vmem_shared>> -> memref<1568x64xf32, #tpu.memory_space<vmem_shared>>
        tpu.enqueue_dma source(%dma_start3A_26 : memref<1568x64xf32, #tpu.memory_space<vmem_shared>>) target(%dma_start3A_24 : memref<1568x64xf32, #tpu.memory_space<hbm>>) target_semaphore(%run_scoped3A : memref<!tpu.dma_semaphore, #tpu.memory_space<semaphore_mem>>)
        %dma_wait3A = arith.constant 0 : i32
        %dma_wait3A_27 = tpu.memref_slice %arg6[%multiple_of3A_17, %dma_wait3A] : memref<50000x64xf32, #tpu.memory_space<hbm>> -> memref<1568x64xf32, #tpu.memory_space<hbm>>
        %dma_wait3A_28 = arith.constant 0 : i32
        %dma_wait3A_29 = tpu.memref_slice %arg7[%multiple_of3A_3, %dma_wait3A_28] : memref<25088x64xf32, #tpu.memory_space<vmem_shared>> -> memref<1568x64xf32, #tpu.memory_space<vmem_shared>>
        tpu.wait_dma2 semaphore(%run_scoped3A : memref<!tpu.dma_semaphore, #tpu.memory_space<semaphore_mem>>) src(%dma_wait3A_29 : memref<1568x64xf32, #tpu.memory_space<vmem_shared>>) dst(%dma_wait3A_27 : memref<1568x64xf32, #tpu.memory_space<hbm>>)
        tpu.yield
      }) : () -> ()
    } else {
    }
    %eq3A = arith.constant 15 : i32
    %eq3A_20 = arith.cmpi eq, %arg1, %eq3A : i32
    %convert_element_type3A_21 = arith.extui %eq3A_20 : i1 to i32
    %cond3A_22 = arith.constant 0 : i32
    %cond3A_23 = arith.cmpi ne, %convert_element_type3A_21, %cond3A_22 : i32
    scf.if %cond3A_23 {
      "tpu.region"() ({
        %run_scoped3A = tpu.sem_alloc : memref<!tpu.dma_semaphore, #tpu.memory_space<semaphore_mem>>
        %dma_start3A = arith.constant 0 : i32
        %dma_start3A_24 = tpu.memref_slice %arg6[%multiple_of3A_17, %dma_start3A] : memref<50000x64xf32, #tpu.memory_space<hbm>> -> memref<1480x64xf32, #tpu.memory_space<hbm>>
        %dma_start3A_25 = arith.constant 0 : i32
        %dma_start3A_26 = tpu.memref_slice %arg7[%multiple_of3A_3, %dma_start3A_25] : memref<25088x64xf32, #tpu.memory_space<vmem_shared>> -> memref<1480x64xf32, #tpu.memory_space<vmem_shared>>
        tpu.enqueue_dma source(%dma_start3A_26 : memref<1480x64xf32, #tpu.memory_space<vmem_shared>>) target(%dma_start3A_24 : memref<1480x64xf32, #tpu.memory_space<hbm>>) target_semaphore(%run_scoped3A : memref<!tpu.dma_semaphore, #tpu.memory_space<semaphore_mem>>)
        %dma_wait3A = arith.constant 0 : i32
        %dma_wait3A_27 = tpu.memref_slice %arg6[%multiple_of3A_17, %dma_wait3A] : memref<50000x64xf32, #tpu.memory_space<hbm>> -> memref<1480x64xf32, #tpu.memory_space<hbm>>
        %dma_wait3A_28 = arith.constant 0 : i32
        %dma_wait3A_29 = tpu.memref_slice %arg7[%multiple_of3A_3, %dma_wait3A_28] : memref<25088x64xf32, #tpu.memory_space<vmem_shared>> -> memref<1480x64xf32, #tpu.memory_space<vmem_shared>>
        tpu.wait_dma2 semaphore(%run_scoped3A : memref<!tpu.dma_semaphore, #tpu.memory_space<semaphore_mem>>) src(%dma_wait3A_29 : memref<1480x64xf32, #tpu.memory_space<vmem_shared>>) dst(%dma_wait3A_27 : memref<1480x64xf32, #tpu.memory_space<hbm>>)
        tpu.yield
      }) : () -> ()
    } else {
    }
    return
  }
}

#map = affine_map<(d0, d1) -> (0, 0)>
#map1 = affine_map<(d0, d1) -> (0)>
module attributes {stable_mosaic.version = 14 : i64} {
  func.func @_segsum_body(%arg0: i32, %arg1: i32, %arg2: memref<50000x64xf32, #tpu.memory_space<hbm>>, %arg3: memref<800000xi32, #tpu.memory_space<hbm>>, %arg4: memref<800000xi32, #tpu.memory_space<hbm>>, %arg5: memref<1568x64xf32, #tpu.memory_space<hbm>>, %arg6: memref<50000x64xf32, #tpu.memory_space<hbm>>, %arg7: memref<25088x64xf32, #tpu.memory_space<vmem_shared>>, %arg8: memref<80xi32, #tpu.memory_space<vmem>>, %arg9: memref<80xi32, #tpu.memory_space<vmem>>, %arg10: memref<80xi32, #tpu.memory_space<vmem>>, %arg11: memref<80x64xf32, #tpu.memory_space<vmem>>, %arg12: memref<!tpu.dma_semaphore, #tpu.memory_space<semaphore_mem>>) attributes {dimension_semantics = [#tpu.dimension_semantics<core_parallel>, #tpu.dimension_semantics<subcore_parallel>], iteration_bounds = array<i64: 2, 16>, scalar_prefetch = 0 : i64, scratch_operands = 6 : i64, tpu.core_type = #tpu.core_type<sc_vector_subcore>, window_params = [{transform_indices = #map}, {transform_indices = #map1}, {transform_indices = #map1}, {transform_indices = #map}, {transform_indices = #map}]} {
    %mul3A = arith.constant 25000 : i32
    %mul3A_0 = arith.muli %arg0, %mul3A : i32
    %multiple_of3A = tpu.assume_multiple %mul3A_0, 8 : i32
    %mul3A_1 = arith.constant 1568 : i32
    %mul3A_2 = arith.muli %arg1, %mul3A_1 : i32
    %multiple_of3A_3 = tpu.assume_multiple %mul3A_2, 8 : i32
    "tpu.region"() ({
      %run_scoped3A = tpu.sem_alloc : memref<!tpu.dma_semaphore, #tpu.memory_space<semaphore_mem>>
      %dma_start3A = arith.constant 0 : i32
      %dma_start3A_24 = tpu.memref_slice %arg7[%multiple_of3A_3, %dma_start3A] : memref<25088x64xf32, #tpu.memory_space<vmem_shared>> -> memref<1568x64xf32, #tpu.memory_space<vmem_shared>>
      tpu.enqueue_dma source(%arg5 : memref<1568x64xf32, #tpu.memory_space<hbm>>) target(%dma_start3A_24 : memref<1568x64xf32, #tpu.memory_space<vmem_shared>>) target_semaphore(%run_scoped3A : memref<!tpu.dma_semaphore, #tpu.memory_space<semaphore_mem>>)
      %dma_wait3A = arith.constant 0 : i32
      %dma_wait3A_25 = tpu.memref_slice %arg7[%multiple_of3A_3, %dma_wait3A] : memref<25088x64xf32, #tpu.memory_space<vmem_shared>> -> memref<1568x64xf32, #tpu.memory_space<vmem_shared>>
      tpu.wait_dma2 semaphore(%run_scoped3A : memref<!tpu.dma_semaphore, #tpu.memory_space<semaphore_mem>>) src(%arg5 : memref<1568x64xf32, #tpu.memory_space<hbm>>) dst(%dma_wait3A_25 : memref<1568x64xf32, #tpu.memory_space<vmem_shared>>)
      tpu.yield
    }) : () -> ()
    %barrier3A = arith.constant 0 : index
    tpu.barrier barrier_id(%barrier3A)
    %mul3A_4 = arith.constant 50000 : i32
    %mul3A_5 = arith.muli %arg1, %mul3A_4 : i32
    %multiple_of3A_6 = tpu.assume_multiple %mul3A_5, 8 : i32
    %iota3A = tpu.iota {dimensions = array<i32: 0>} : vector<16xi32>
    %and3A = arith.constant 7 : i32
    %and3A_7 = vector.broadcast %and3A : i32 to vector<16xi32>
    %and3A_8 = arith.andi %iota3A, %and3A_7 : vector<16xi32>
    %add3A = arith.constant 25000 : i32
    %add3A_9 = vector.broadcast %add3A : i32 to vector<16xi32>
    %add3A_10 = arith.addi %add3A_9, %and3A_8 : vector<16xi32>
    %scan3A = arith.constant 0 : i32
    %scan3A_11 = arith.constant 625 : i32
    %scan3A_12 = arith.addi %scan3A, %scan3A_11 : i32
    %scan3A_13 = arith.constant 1 : i32
    scf.for %scan3A_24 = %scan3A to %scan3A_12 step %scan3A_13  : i32 {
      %mul3A_25 = arith.constant 1 : i32
      %mul3A_26 = arith.muli %scan3A_24, %mul3A_25 : i32
      %add3A_27 = arith.constant 0 : i32
      %add3A_28 = arith.addi %add3A_27, %mul3A_26 : i32
      %mul3A_29 = arith.constant 80 : i32
      %mul3A_30 = arith.muli %add3A_28, %mul3A_29 : i32
      %add3A_31 = arith.addi %multiple_of3A_6, %mul3A_30 : i32
      %multiple_of3A_32 = tpu.assume_multiple %add3A_31, 8 : i32
      "tpu.region"() ({
        %run_scoped3A = tpu.sem_alloc : memref<!tpu.dma_semaphore, #tpu.memory_space<semaphore_mem>>
        %dma_start3A_117 = tpu.memref_slice %arg3[%multiple_of3A_32] : memref<800000xi32, #tpu.memory_space<hbm>> -> memref<80xi32, #tpu.memory_space<hbm>>
        %dma_start3A_118 = tpu.memref_slice %arg3[%multiple_of3A_32] : memref<800000xi32, #tpu.memory_space<hbm>> -> memref<80xi32, #tpu.memory_space<hbm>>
        tpu.enqueue_dma source(%dma_start3A_118 : memref<80xi32, #tpu.memory_space<hbm>>) target(%arg8 : memref<80xi32, #tpu.memory_space<vmem>>) target_semaphore(%run_scoped3A : memref<!tpu.dma_semaphore, #tpu.memory_space<semaphore_mem>>)
        %dma_wait3A_119 = tpu.memref_slice %arg3[%multiple_of3A_32] : memref<800000xi32, #tpu.memory_space<hbm>> -> memref<80xi32, #tpu.memory_space<hbm>>
        %dma_wait3A_120 = tpu.memref_slice %arg3[%multiple_of3A_32] : memref<800000xi32, #tpu.memory_space<hbm>> -> memref<80xi32, #tpu.memory_space<hbm>>
        tpu.wait_dma2 semaphore(%run_scoped3A : memref<!tpu.dma_semaphore, #tpu.memory_space<semaphore_mem>>) src(%dma_wait3A_120 : memref<80xi32, #tpu.memory_space<hbm>>) dst(%arg8 : memref<80xi32, #tpu.memory_space<vmem>>)
        tpu.yield
      }) : () -> ()
      "tpu.region"() ({
        %run_scoped3A = tpu.sem_alloc : memref<!tpu.dma_semaphore, #tpu.memory_space<semaphore_mem>>
        %dma_start3A_117 = tpu.memref_slice %arg4[%multiple_of3A_32] : memref<800000xi32, #tpu.memory_space<hbm>> -> memref<80xi32, #tpu.memory_space<hbm>>
        %dma_start3A_118 = tpu.memref_slice %arg4[%multiple_of3A_32] : memref<800000xi32, #tpu.memory_space<hbm>> -> memref<80xi32, #tpu.memory_space<hbm>>
        tpu.enqueue_dma source(%dma_start3A_118 : memref<80xi32, #tpu.memory_space<hbm>>) target(%arg9 : memref<80xi32, #tpu.memory_space<vmem>>) target_semaphore(%run_scoped3A : memref<!tpu.dma_semaphore, #tpu.memory_space<semaphore_mem>>)
        %dma_wait3A_119 = tpu.memref_slice %arg4[%multiple_of3A_32] : memref<800000xi32, #tpu.memory_space<hbm>> -> memref<80xi32, #tpu.memory_space<hbm>>
        %dma_wait3A_120 = tpu.memref_slice %arg4[%multiple_of3A_32] : memref<800000xi32, #tpu.memory_space<hbm>> -> memref<80xi32, #tpu.memory_space<hbm>>
        tpu.wait_dma2 semaphore(%run_scoped3A : memref<!tpu.dma_semaphore, #tpu.memory_space<semaphore_mem>>) src(%dma_wait3A_120 : memref<80xi32, #tpu.memory_space<hbm>>) dst(%arg9 : memref<80xi32, #tpu.memory_space<vmem>>)
        tpu.yield
      }) : () -> ()
      %get3A = arith.constant 0 : index
      %get3A_33 = tpu.vector_load %arg9[%get3A] {strides = array<i32>} : memref<80xi32, #tpu.memory_space<vmem>>, vector<16xi32>,
      %get3A_34 = vector.shape_cast %get3A_33 : vector<16xi32> to vector<16xi32>
      %ge3A = vector.broadcast %multiple_of3A : i32 to vector<16xi32>
      %ge3A_35 = arith.cmpi sge, %get3A_34, %ge3A : vector<16xi32>
      %add3A_36 = arith.constant 25000 : i32
      %add3A_37 = arith.addi %multiple_of3A, %add3A_36 : i32
      %lt3A_38 = vector.broadcast %add3A_37 : i32 to vector<16xi32>
      %lt3A_39 = arith.cmpi slt, %get3A_34, %lt3A_38 : vector<16xi32>
      %and3A_40 = arith.andi %ge3A_35, %lt3A_39 : vector<16xi1>
      %sub3A = vector.broadcast %multiple_of3A : i32 to vector<16xi32>
      %sub3A_41 = arith.subi %get3A_34, %sub3A : vector<16xi32>
      %select_n3A = arith.select %and3A_40, %sub3A_41, %add3A_10 : vector<16xi1>, vector<16xi32>
      %swap3A = arith.constant 0 : index
      %swap3A_42 = tpu.vector_load %arg10[%swap3A] {strides = array<i32>} : memref<80xi32, #tpu.memory_space<vmem>>, vector<16xi32>,
      %swap3A_43 = vector.shape_cast %swap3A_42 : vector<16xi32> to vector<16xi32>
      %swap3A_44 = vector.shape_cast %select_n3A : vector<16xi32> to vector<16xi32>
      tpu.vector_store %arg10[%swap3A], %swap3A_44 {strides = array<i32>} : memref<80xi32, #tpu.memory_space<vmem>>, vector<16xi32>,
      %get3A_45 = arith.constant 16 : index
      %get3A_46 = tpu.vector_load %arg9[%get3A_45] {strides = array<i32>} : memref<80xi32, #tpu.memory_space<vmem>>, vector<16xi32>,
      %get3A_47 = vector.shape_cast %get3A_46 : vector<16xi32> to vector<16xi32>
      %ge3A_48 = vector.broadcast %multiple_of3A : i32 to vector<16xi32>
      %ge3A_49 = arith.cmpi sge, %get3A_47, %ge3A_48 : vector<16xi32>
      %add3A_50 = arith.constant 25000 : i32
      %add3A_51 = arith.addi %multiple_of3A, %add3A_50 : i32
      %lt3A_52 = vector.broadcast %add3A_51 : i32 to vector<16xi32>
      %lt3A_53 = arith.cmpi slt, %get3A_47, %lt3A_52 : vector<16xi32>
      %and3A_54 = arith.andi %ge3A_49, %lt3A_53 : vector<16xi1>
      %sub3A_55 = vector.broadcast %multiple_of3A : i32 to vector<16xi32>
      %sub3A_56 = arith.subi %get3A_47, %sub3A_55 : vector<16xi32>
      %select_n3A_57 = arith.select %and3A_54, %sub3A_56, %add3A_10 : vector<16xi1>, vector<16xi32>
      %swap3A_58 = arith.constant 16 : index
      %swap3A_59 = tpu.vector_load %arg10[%swap3A_58] {strides = array<i32>} : memref<80xi32, #tpu.memory_space<vmem>>, vector<16xi32>,
      %swap3A_60 = vector.shape_cast %swap3A_59 : vector<16xi32> to vector<16xi32>
      %swap3A_61 = vector.shape_cast %select_n3A_57 : vector<16xi32> to vector<16xi32>
      tpu.vector_store %arg10[%swap3A_58], %swap3A_61 {strides = array<i32>} : memref<80xi32, #tpu.memory_space<vmem>>, vector<16xi32>,
      %get3A_62 = arith.constant 32 : index
      %get3A_63 = tpu.vector_load %arg9[%get3A_62] {strides = array<i32>} : memref<80xi32, #tpu.memory_space<vmem>>, vector<16xi32>,
      %get3A_64 = vector.shape_cast %get3A_63 : vector<16xi32> to vector<16xi32>
      %ge3A_65 = vector.broadcast %multiple_of3A : i32 to vector<16xi32>
      %ge3A_66 = arith.cmpi sge, %get3A_64, %ge3A_65 : vector<16xi32>
      %add3A_67 = arith.constant 25000 : i32
      %add3A_68 = arith.addi %multiple_of3A, %add3A_67 : i32
      %lt3A_69 = vector.broadcast %add3A_68 : i32 to vector<16xi32>
      %lt3A_70 = arith.cmpi slt, %get3A_64, %lt3A_69 : vector<16xi32>
      %and3A_71 = arith.andi %ge3A_66, %lt3A_70 : vector<16xi1>
      %sub3A_72 = vector.broadcast %multiple_of3A : i32 to vector<16xi32>
      %sub3A_73 = arith.subi %get3A_64, %sub3A_72 : vector<16xi32>
      %select_n3A_74 = arith.select %and3A_71, %sub3A_73, %add3A_10 : vector<16xi1>, vector<16xi32>
      %swap3A_75 = arith.constant 32 : index
      %swap3A_76 = tpu.vector_load %arg10[%swap3A_75] {strides = array<i32>} : memref<80xi32, #tpu.memory_space<vmem>>, vector<16xi32>,
      %swap3A_77 = vector.shape_cast %swap3A_76 : vector<16xi32> to vector<16xi32>
      %swap3A_78 = vector.shape_cast %select_n3A_74 : vector<16xi32> to vector<16xi32>
      tpu.vector_store %arg10[%swap3A_75], %swap3A_78 {strides = array<i32>} : memref<80xi32, #tpu.memory_space<vmem>>, vector<16xi32>,
      %get3A_79 = arith.constant 48 : index
      %get3A_80 = tpu.vector_load %arg9[%get3A_79] {strides = array<i32>} : memref<80xi32, #tpu.memory_space<vmem>>, vector<16xi32>,
      %get3A_81 = vector.shape_cast %get3A_80 : vector<16xi32> to vector<16xi32>
      %ge3A_82 = vector.broadcast %multiple_of3A : i32 to vector<16xi32>
      %ge3A_83 = arith.cmpi sge, %get3A_81, %ge3A_82 : vector<16xi32>
      %add3A_84 = arith.constant 25000 : i32
      %add3A_85 = arith.addi %multiple_of3A, %add3A_84 : i32
      %lt3A_86 = vector.broadcast %add3A_85 : i32 to vector<16xi32>
      %lt3A_87 = arith.cmpi slt, %get3A_81, %lt3A_86 : vector<16xi32>
      %and3A_88 = arith.andi %ge3A_83, %lt3A_87 : vector<16xi1>
      %sub3A_89 = vector.broadcast %multiple_of3A : i32 to vector<16xi32>
      %sub3A_90 = arith.subi %get3A_81, %sub3A_89 : vector<16xi32>
      %select_n3A_91 = arith.select %and3A_88, %sub3A_90, %add3A_10 : vector<16xi1>, vector<16xi32>
      %swap3A_92 = arith.constant 48 : index
      %swap3A_93 = tpu.vector_load %arg10[%swap3A_92] {strides = array<i32>} : memref<80xi32, #tpu.memory_space<vmem>>, vector<16xi32>,
      %swap3A_94 = vector.shape_cast %swap3A_93 : vector<16xi32> to vector<16xi32>
      %swap3A_95 = vector.shape_cast %select_n3A_91 : vector<16xi32> to vector<16xi32>
      tpu.vector_store %arg10[%swap3A_92], %swap3A_95 {strides = array<i32>} : memref<80xi32, #tpu.memory_space<vmem>>, vector<16xi32>,
      %get3A_96 = arith.constant 64 : index
      %get3A_97 = tpu.vector_load %arg9[%get3A_96] {strides = array<i32>} : memref<80xi32, #tpu.memory_space<vmem>>, vector<16xi32>,
      %get3A_98 = vector.shape_cast %get3A_97 : vector<16xi32> to vector<16xi32>
      %ge3A_99 = vector.broadcast %multiple_of3A : i32 to vector<16xi32>
      %ge3A_100 = arith.cmpi sge, %get3A_98, %ge3A_99 : vector<16xi32>
      %add3A_101 = arith.constant 25000 : i32
      %add3A_102 = arith.addi %multiple_of3A, %add3A_101 : i32
      %lt3A_103 = vector.broadcast %add3A_102 : i32 to vector<16xi32>
      %lt3A_104 = arith.cmpi slt, %get3A_98, %lt3A_103 : vector<16xi32>
      %and3A_105 = arith.andi %ge3A_100, %lt3A_104 : vector<16xi1>
      %sub3A_106 = vector.broadcast %multiple_of3A : i32 to vector<16xi32>
      %sub3A_107 = arith.subi %get3A_98, %sub3A_106 : vector<16xi32>
      %select_n3A_108 = arith.select %and3A_105, %sub3A_107, %add3A_10 : vector<16xi1>, vector<16xi32>
      %swap3A_109 = arith.constant 64 : index
      %swap3A_110 = tpu.vector_load %arg10[%swap3A_109] {strides = array<i32>} : memref<80xi32, #tpu.memory_space<vmem>>, vector<16xi32>,
      %swap3A_111 = vector.shape_cast %swap3A_110 : vector<16xi32> to vector<16xi32>
      %swap3A_112 = vector.shape_cast %select_n3A_108 : vector<16xi32> to vector<16xi32>
      tpu.vector_store %arg10[%swap3A_109], %swap3A_112 {strides = array<i32>} : memref<80xi32, #tpu.memory_space<vmem>>, vector<16xi32>,
      %dma_start3A = arith.constant 0 : i32
      %dma_start3A_113 = arith.constant 0 : i32
      %dma_start3A_114 = tpu.memref_slice %arg2[%dma_start3A, %dma_start3A_113] : memref<50000x64xf32, #tpu.memory_space<hbm>> -> memref<50000x64xf32, #tpu.memory_space<hbm>>
      tpu.enqueue_indirect_dma source(%dma_start3A_114 : memref<50000x64xf32, #tpu.memory_space<hbm>>) target(%arg11 : memref<80x64xf32, #tpu.memory_space<vmem>>) offsets(%arg8 : memref<80xi32, #tpu.memory_space<vmem>>) semaphore(%arg12 : memref<!tpu.dma_semaphore, #tpu.memory_space<semaphore_mem>>)
      %dma_wait3A = arith.constant 0 : i32
      %dma_wait3A_115 = arith.constant 0 : i32
      %dma_wait3A_116 = tpu.memref_slice %arg2[%dma_wait3A, %dma_wait3A_115] : memref<50000x64xf32, #tpu.memory_space<hbm>> -> memref<50000x64xf32, #tpu.memory_space<hbm>>
      tpu.wait_indirect_dma semaphore(%arg12 : memref<!tpu.dma_semaphore, #tpu.memory_space<semaphore_mem>>) src(%dma_wait3A_116 : memref<50000x64xf32, #tpu.memory_space<hbm>>) dst(%arg11 : memref<80x64xf32, #tpu.memory_space<vmem>>)
      "tpu.region"() ({
        %run_scoped3A = tpu.sem_alloc : memref<!tpu.dma_semaphore, #tpu.memory_space<semaphore_mem>>
        %dma_start3A_117 = arith.constant 0 : i32
        %dma_start3A_118 = arith.constant 0 : i32
        %dma_start3A_119 = tpu.memref_slice %arg7[%dma_start3A_117, %dma_start3A_118] : memref<25088x64xf32, #tpu.memory_space<vmem_shared>> -> memref<25088x64xf32, #tpu.memory_space<vmem_shared>>
        tpu.enqueue_indirect_dma source(%arg11 : memref<80x64xf32, #tpu.memory_space<vmem>>) target(%dma_start3A_119 : memref<25088x64xf32, #tpu.memory_space<vmem_shared>>) offsets(%arg10 : memref<80xi32, #tpu.memory_space<vmem>>) semaphore(%run_scoped3A : memref<!tpu.dma_semaphore, #tpu.memory_space<semaphore_mem>>) {add = true}
        %dma_wait3A_120 = arith.constant 0 : i32
        %dma_wait3A_121 = arith.constant 0 : i32
        %dma_wait3A_122 = tpu.memref_slice %arg7[%dma_wait3A_120, %dma_wait3A_121] : memref<25088x64xf32, #tpu.memory_space<vmem_shared>> -> memref<25088x64xf32, #tpu.memory_space<vmem_shared>>
        tpu.wait_indirect_dma semaphore(%run_scoped3A : memref<!tpu.dma_semaphore, #tpu.memory_space<semaphore_mem>>) src(%arg11 : memref<80x64xf32, #tpu.memory_space<vmem>>) dst(%dma_wait3A_122 : memref<25088x64xf32, #tpu.memory_space<vmem_shared>>)
        tpu.yield
      }) : () -> ()
    }
    %scan3A_14 = arith.constant 625 : i32
    %barrier3A_15 = arith.constant 0 : index
    tpu.barrier barrier_id(%barrier3A_15)
    %add3A_16 = arith.addi %multiple_of3A, %multiple_of3A_3 : i32
    %multiple_of3A_17 = tpu.assume_multiple %add3A_16, 8 : i32
    %lt3A = arith.constant 15 : i32
    %lt3A_18 = arith.cmpi slt, %arg1, %lt3A : i32
    %convert_element_type3A = arith.extui %lt3A_18 : i1 to i32
    %cond3A = arith.constant 0 : i32
    %cond3A_19 = arith.cmpi ne, %convert_element_type3A, %cond3A : i32
    scf.if %cond3A_19 {
      "tpu.region"() ({
        %run_scoped3A = tpu.sem_alloc : memref<!tpu.dma_semaphore, #tpu.memory_space<semaphore_mem>>
        %dma_start3A = arith.constant 0 : i32
        %dma_start3A_24 = tpu.memref_slice %arg6[%multiple_of3A_17, %dma_start3A] : memref<50000x64xf32, #tpu.memory_space<hbm>> -> memref<1568x64xf32, #tpu.memory_space<hbm>>
        %dma_start3A_25 = arith.constant 0 : i32
        %dma_start3A_26 = tpu.memref_slice %arg7[%multiple_of3A_3, %dma_start3A_25] : memref<25088x64xf32, #tpu.memory_space<vmem_shared>> -> memref<1568x64xf32, #tpu.memory_space<vmem_shared>>
        tpu.enqueue_dma source(%dma_start3A_26 : memref<1568x64xf32, #tpu.memory_space<vmem_shared>>) target(%dma_start3A_24 : memref<1568x64xf32, #tpu.memory_space<hbm>>) target_semaphore(%run_scoped3A : memref<!tpu.dma_semaphore, #tpu.memory_space<semaphore_mem>>)
        %dma_wait3A = arith.constant 0 : i32
        %dma_wait3A_27 = tpu.memref_slice %arg6[%multiple_of3A_17, %dma_wait3A] : memref<50000x64xf32, #tpu.memory_space<hbm>> -> memref<1568x64xf32, #tpu.memory_space<hbm>>
        %dma_wait3A_28 = arith.constant 0 : i32
        %dma_wait3A_29 = tpu.memref_slice %arg7[%multiple_of3A_3, %dma_wait3A_28] : memref<25088x64xf32, #tpu.memory_space<vmem_shared>> -> memref<1568x64xf32, #tpu.memory_space<vmem_shared>>
        tpu.wait_dma2 semaphore(%run_scoped3A : memref<!tpu.dma_semaphore, #tpu.memory_space<semaphore_mem>>) src(%dma_wait3A_29 : memref<1568x64xf32, #tpu.memory_space<vmem_shared>>) dst(%dma_wait3A_27 : memref<1568x64xf32, #tpu.memory_space<hbm>>)
        tpu.yield
      }) : () -> ()
    } else {
    }
    %eq3A = arith.constant 15 : i32
    %eq3A_20 = arith.cmpi eq, %arg1, %eq3A : i32
    %convert_element_type3A_21 = arith.extui %eq3A_20 : i1 to i32
    %cond3A_22 = arith.constant 0 : i32
    %cond3A_23 = arith.cmpi ne, %convert_element_type3A_21, %cond3A_22 : i32
    scf.if %cond3A_23 {
      "tpu.region"() ({
        %run_scoped3A = tpu.sem_alloc : memref<!tpu.dma_semaphore, #tpu.memory_space<semaphore_mem>>
        %dma_start3A = arith.constant 0 : i32
        %dma_start3A_24 = tpu.memref_slice %arg6[%multiple_of3A_17, %dma_start3A] : memref<50000x64xf32, #tpu.memory_space<hbm>> -> memref<1480x64xf32, #tpu.memory_space<hbm>>
        %dma_start3A_25 = arith.constant 0 : i32
        %dma_start3A_26 = tpu.memref_slice %arg7[%multiple_of3A_3, %dma_start3A_25] : memref<25088x64xf32, #tpu.memory_space<vmem_shared>> -> memref<1480x64xf32, #tpu.memory_space<vmem_shared>>
        tpu.enqueue_dma source(%dma_start3A_26 : memref<1480x64xf32, #tpu.memory_space<vmem_shared>>) target(%dma_start3A_24 : memref<1480x64xf32, #tpu.memory_space<hbm>>) target_semaphore(%run_scoped3A : memref<!tpu.dma_semaphore, #tpu.memory_space<semaphore_mem>>)
        %dma_wait3A = arith.constant 0 : i32
        %dma_wait3A_27 = tpu.memref_slice %arg6[%multiple_of3A_17, %dma_wait3A] : memref<50000x64xf32, #tpu.memory_space<hbm>> -> memref<1480x64xf32, #tpu.memory_space<hbm>>
        %dma_wait3A_28 = arith.constant 0 : i32
        %dma_wait3A_29 = tpu.memref_slice %arg7[%multiple_of3A_3, %dma_wait3A_28] : memref<25088x64xf32, #tpu.memory_space<vmem_shared>> -> memref<1480x64xf32, #tpu.memory_space<vmem_shared>>
        tpu.wait_dma2 semaphore(%run_scoped3A : memref<!tpu.dma_semaphore, #tpu.memory_space<semaphore_mem>>) src(%dma_wait3A_29 : memref<1480x64xf32, #tpu.memory_space<vmem_shared>>) dst(%dma_wait3A_27 : memref<1480x64xf32, #tpu.memory_space<hbm>>)
        tpu.yield
      }) : () -> ()
    } else {
    }
    return
  }
}

module attributes {stable_mosaic.version = 14 : i64} {
  func.func @_pre_body(%arg0: i32, %arg1: memref<2000x100xf32, #tpu.memory_space<vmem>>, %arg2: memref<100x64xf32, #tpu.memory_space<vmem>>, %arg3: memref<100x64xf32, #tpu.memory_space<vmem>>, %arg4: memref<1x64xf32, #tpu.memory_space<vmem>>, %arg5: memref<2000x64xf32, #tpu.memory_space<vmem>>, %arg6: memref<2000x64xf32, #tpu.memory_space<vmem>>) attributes {dimension_semantics = [#tpu.dimension_semantics<arbitrary>], iteration_bounds = array<i64: 25>, scalar_prefetch = 0 : i64, scratch_operands = 0 : i64, tpu.core_type = #tpu.core_type<tc>, window_params = [{transform_indices = @transform_0, window_bounds = array<i64: 2000, 100>}, {pipeline_mode = #tpu.pipeline_mode<synchronous>, transform_indices = @transform_1, window_bounds = array<i64: 100, 64>}, {pipeline_mode = #tpu.pipeline_mode<synchronous>, transform_indices = @transform_2, window_bounds = array<i64: 100, 64>}, {pipeline_mode = #tpu.pipeline_mode<synchronous>, transform_indices = @transform_3, window_bounds = array<i64: 1, 64>}, {transform_indices = @transform_4, window_bounds = array<i64: 2000, 64>}, {transform_indices = @transform_5, window_bounds = array<i64: 2000, 64>}]} {
    %get3A = arith.constant 0 : index
    %get3A_0 = arith.constant 0 : index
    %get3A_1 = vector.load %arg1[%get3A, %get3A_0] : memref<2000x100xf32, #tpu.memory_space<vmem>>, vector<2000x100xf32>
    %get3A_2 = arith.constant 0 : index
    %get3A_3 = arith.constant 0 : index
    %get3A_4 = vector.load %arg2[%get3A_2, %get3A_3] : memref<100x64xf32, #tpu.memory_space<vmem>>, vector<100x64xf32>
    %dot_general3A = arith.constant dense<0.000000e+00> : vector<2000x64xf32>
    %dot_general3A_5 = tpu.matmul %get3A_1, %get3A_4, %dot_general3A {dimension_numbers = #tpu.dot_dimension_numbers<[1], [0], [0], [1], [0, 0, 1, 1], [], []>, transpose_lhs_hint = false} : vector<2000x100xf32>, vector<100x64xf32>, vector<2000x64xf32> -> vector<2000x64xf32>
    %swap3A = arith.constant 0 : index
    %swap3A_6 = arith.constant 0 : index
    %swap3A_7 = vector.load %arg5[%swap3A, %swap3A_6] : memref<2000x64xf32, #tpu.memory_space<vmem>>, vector<2000x64xf32>
    tpu.vector_store %arg5[%swap3A, %swap3A_6], %dot_general3A_5 {strides = array<i32>} : memref<2000x64xf32, #tpu.memory_space<vmem>>, vector<2000x64xf32>,
    %get3A_8 = arith.constant 0 : index
    %get3A_9 = arith.constant 0 : index
    %get3A_10 = vector.load %arg3[%get3A_8, %get3A_9] : memref<100x64xf32, #tpu.memory_space<vmem>>, vector<100x64xf32>
    %dot_general3A_11 = arith.constant dense<0.000000e+00> : vector<2000x64xf32>
    %dot_general3A_12 = tpu.matmul %get3A_1, %get3A_10, %dot_general3A_11 {dimension_numbers = #tpu.dot_dimension_numbers<[1], [0], [0], [1], [0, 0, 1, 1], [], []>, transpose_lhs_hint = false} : vector<2000x100xf32>, vector<100x64xf32>, vector<2000x64xf32> -> vector<2000x64xf32>
    %get3A_13 = arith.constant 0 : index
    %get3A_14 = arith.constant 0 : index
    %get3A_15 = vector.load %arg4[%get3A_13, %get3A_14] : memref<1x64xf32, #tpu.memory_space<vmem>>, vector<1x64xf32>
    %add3A = vector.broadcast %get3A_15 : vector<1x64xf32> to vector<2000x64xf32>
    %add3A_16 = arith.addf %dot_general3A_12, %add3A : vector<2000x64xf32>
    %swap3A_17 = arith.constant 0 : index
    %swap3A_18 = arith.constant 0 : index
    %swap3A_19 = vector.load %arg6[%swap3A_17, %swap3A_18] : memref<2000x64xf32, #tpu.memory_space<vmem>>, vector<2000x64xf32>
    tpu.vector_store %arg6[%swap3A_17, %swap3A_18], %add3A_16 {strides = array<i32>} : memref<2000x64xf32, #tpu.memory_space<vmem>>, vector<2000x64xf32>,
    return
  }
  func.func @transform_0(%arg0: i32) -> (i32, i32) {
    %c0_i32 = arith.constant 0 : i32
    %c0_i32_0 = arith.constant 0 : i32
    return %arg0, %c0_i32 : i32, i32
  }
  func.func @transform_1(%arg0: i32) -> (i32, i32) {
    %c0_i32 = arith.constant 0 : i32
    %c0_i32_0 = arith.constant 0 : i32
    %c0_i32_1 = arith.constant 0 : i32
    return %c0_i32, %c0_i32_0 : i32, i32
  }
  func.func @transform_2(%arg0: i32) -> (i32, i32) {
    %c0_i32 = arith.constant 0 : i32
    %c0_i32_0 = arith.constant 0 : i32
    %c0_i32_1 = arith.constant 0 : i32
    return %c0_i32, %c0_i32_0 : i32, i32
  }
  func.func @transform_3(%arg0: i32) -> (i32, i32) {
    %c0_i32 = arith.constant 0 : i32
    %c0_i32_0 = arith.constant 0 : i32
    %c0_i32_1 = arith.constant 0 : i32
    return %c0_i32, %c0_i32_0 : i32, i32
  }
  func.func @transform_4(%arg0: i32) -> (i32, i32) {
    %c0_i32 = arith.constant 0 : i32
    %c0_i32_0 = arith.constant 0 : i32
    return %arg0, %c0_i32 : i32, i32
  }
  func.func @transform_5(%arg0: i32) -> (i32, i32) {
    %c0_i32 = arith.constant 0 : i32
    %c0_i32_0 = arith.constant 0 : i32
    return %arg0, %c0_i32 : i32, i32
  }
}

module attributes {stable_mosaic.version = 14 : i64} {
  func.func @_mid_body(%arg0: i32, %arg1: memref<2000x64xf32, #tpu.memory_space<vmem>>, %arg2: memref<2000x16xf32, #tpu.memory_space<vmem>>, %arg3: memref<2000x64xf32, #tpu.memory_space<vmem>>, %arg4: memref<64x64xf32, #tpu.memory_space<vmem>>, %arg5: memref<64x64xf32, #tpu.memory_space<vmem>>, %arg6: memref<1x64xf32, #tpu.memory_space<vmem>>, %arg7: memref<2000x64xf32, #tpu.memory_space<vmem>>, %arg8: memref<2000x64xf32, #tpu.memory_space<vmem>>, %arg9: memref<2000x64xf32, #tpu.memory_space<vmem>>) attributes {dimension_semantics = [#tpu.dimension_semantics<arbitrary>], iteration_bounds = array<i64: 25>, scalar_prefetch = 0 : i64, scratch_operands = 0 : i64, tpu.core_type = #tpu.core_type<tc>, window_params = [{transform_indices = @transform_0, window_bounds = array<i64: 2000, 64>}, {transform_indices = @transform_1, window_bounds = array<i64: 2000, 16>}, {transform_indices = @transform_2, window_bounds = array<i64: 2000, 64>}, {pipeline_mode = #tpu.pipeline_mode<synchronous>, transform_indices = @transform_3, window_bounds = array<i64: 64, 64>}, {pipeline_mode = #tpu.pipeline_mode<synchronous>, transform_indices = @transform_4, window_bounds = array<i64: 64, 64>}, {pipeline_mode = #tpu.pipeline_mode<synchronous>, transform_indices = @transform_5, window_bounds = array<i64: 1, 64>}, {transform_indices = @transform_6, window_bounds = array<i64: 2000, 64>}, {transform_indices = @transform_7, window_bounds = array<i64: 2000, 64>}, {transform_indices = @transform_8, window_bounds = array<i64: 2000, 64>}]} {
    %get3A = arith.constant 0 : index
    %get3A_0 = arith.constant 0 : index
    %get3A_1 = vector.load %arg2[%get3A, %get3A_0] : memref<2000x16xf32, #tpu.memory_space<vmem>>, vector<2000x1xf32>
    %max3A = arith.constant 1.000000e+00 : f32
    %max3A_2 = vector.broadcast %max3A : f32 to vector<2000x1xf32>
    %max3A_3 = arith.maximumf %get3A_1, %max3A_2 : vector<2000x1xf32>
    %div3A = arith.constant 1.000000e+00 : f32
    %div3A_4 = vector.broadcast %div3A : f32 to vector<2000x1xf32>
    %div3A_5 = arith.divf %div3A_4, %max3A_3 : vector<2000x1xf32>
    %get3A_6 = arith.constant 0 : index
    %get3A_7 = arith.constant 0 : index
    %get3A_8 = vector.load %arg1[%get3A_6, %get3A_7] : memref<2000x64xf32, #tpu.memory_space<vmem>>, vector<2000x64xf32>
    %mul3A = vector.broadcast %div3A_5 : vector<2000x1xf32> to vector<2000x64xf32>
    %mul3A_9 = arith.mulf %get3A_8, %mul3A : vector<2000x64xf32>
    %get3A_10 = arith.constant 0 : index
    %get3A_11 = arith.constant 0 : index
    %get3A_12 = vector.load %arg3[%get3A_10, %get3A_11] : memref<2000x64xf32, #tpu.memory_space<vmem>>, vector<2000x64xf32>
    %add3A = arith.addf %mul3A_9, %get3A_12 : vector<2000x64xf32>
    %max3A_13 = arith.constant 0.000000e+00 : f32
    %max3A_14 = vector.broadcast %max3A_13 : f32 to vector<2000x64xf32>
    %max3A_15 = arith.maximumf %add3A, %max3A_14 : vector<2000x64xf32>
    %swap3A = arith.constant 0 : index
    %swap3A_16 = arith.constant 0 : index
    %swap3A_17 = vector.load %arg7[%swap3A, %swap3A_16] : memref<2000x64xf32, #tpu.memory_space<vmem>>, vector<2000x64xf32>
    tpu.vector_store %arg7[%swap3A, %swap3A_16], %max3A_15 {strides = array<i32>} : memref<2000x64xf32, #tpu.memory_space<vmem>>, vector<2000x64xf32>,
    %get3A_18 = arith.constant 0 : index
    %get3A_19 = arith.constant 0 : index
    %get3A_20 = vector.load %arg4[%get3A_18, %get3A_19] : memref<64x64xf32, #tpu.memory_space<vmem>>, vector<64x64xf32>
    %dot_general3A = arith.constant dense<0.000000e+00> : vector<2000x64xf32>
    %dot_general3A_21 = tpu.matmul %max3A_15, %get3A_20, %dot_general3A {dimension_numbers = #tpu.dot_dimension_numbers<[1], [0], [0], [1], [0, 0, 1, 1], [], []>, transpose_lhs_hint = false} : vector<2000x64xf32>, vector<64x64xf32>, vector<2000x64xf32> -> vector<2000x64xf32>
    %swap3A_22 = arith.constant 0 : index
    %swap3A_23 = arith.constant 0 : index
    %swap3A_24 = vector.load %arg8[%swap3A_22, %swap3A_23] : memref<2000x64xf32, #tpu.memory_space<vmem>>, vector<2000x64xf32>
    tpu.vector_store %arg8[%swap3A_22, %swap3A_23], %dot_general3A_21 {strides = array<i32>} : memref<2000x64xf32, #tpu.memory_space<vmem>>, vector<2000x64xf32>,
    %get3A_25 = arith.constant 0 : index
    %get3A_26 = arith.constant 0 : index
    %get3A_27 = vector.load %arg5[%get3A_25, %get3A_26] : memref<64x64xf32, #tpu.memory_space<vmem>>, vector<64x64xf32>
    %dot_general3A_28 = arith.constant dense<0.000000e+00> : vector<2000x64xf32>
    %dot_general3A_29 = tpu.matmul %max3A_15, %get3A_27, %dot_general3A_28 {dimension_numbers = #tpu.dot_dimension_numbers<[1], [0], [0], [1], [0, 0, 1, 1], [], []>, transpose_lhs_hint = false} : vector<2000x64xf32>, vector<64x64xf32>, vector<2000x64xf32> -> vector<2000x64xf32>
    %get3A_30 = arith.constant 0 : index
    %get3A_31 = arith.constant 0 : index
    %get3A_32 = vector.load %arg6[%get3A_30, %get3A_31] : memref<1x64xf32, #tpu.memory_space<vmem>>, vector<1x64xf32>
    %add3A_33 = vector.broadcast %get3A_32 : vector<1x64xf32> to vector<2000x64xf32>
    %add3A_34 = arith.addf %dot_general3A_29, %add3A_33 : vector<2000x64xf32>
    %swap3A_35 = arith.constant 0 : index
    %swap3A_36 = arith.constant 0 : index
    %swap3A_37 = vector.load %arg9[%swap3A_35, %swap3A_36] : memref<2000x64xf32, #tpu.memory_space<vmem>>, vector<2000x64xf32>
    tpu.vector_store %arg9[%swap3A_35, %swap3A_36], %add3A_34 {strides = array<i32>} : memref<2000x64xf32, #tpu.memory_space<vmem>>, vector<2000x64xf32>,
    return
  }
  func.func @transform_0(%arg0: i32) -> (i32, i32) {
    %c0_i32 = arith.constant 0 : i32
    %c0_i32_0 = arith.constant 0 : i32
    return %arg0, %c0_i32 : i32, i32
  }
  func.func @transform_1(%arg0: i32) -> (i32, i32) {
    %c0_i32 = arith.constant 0 : i32
    %c0_i32_0 = arith.constant 0 : i32
    return %arg0, %c0_i32 : i32, i32
  }
  func.func @transform_2(%arg0: i32) -> (i32, i32) {
    %c0_i32 = arith.constant 0 : i32
    %c0_i32_0 = arith.constant 0 : i32
    return %arg0, %c0_i32 : i32, i32
  }
  func.func @transform_3(%arg0: i32) -> (i32, i32) {
    %c0_i32 = arith.constant 0 : i32
    %c0_i32_0 = arith.constant 0 : i32
    %c0_i32_1 = arith.constant 0 : i32
    return %c0_i32, %c0_i32_0 : i32, i32
  }
  func.func @transform_4(%arg0: i32) -> (i32, i32) {
    %c0_i32 = arith.constant 0 : i32
    %c0_i32_0 = arith.constant 0 : i32
    %c0_i32_1 = arith.constant 0 : i32
    return %c0_i32, %c0_i32_0 : i32, i32
  }
  func.func @transform_5(%arg0: i32) -> (i32, i32) {
    %c0_i32 = arith.constant 0 : i32
    %c0_i32_0 = arith.constant 0 : i32
    %c0_i32_1 = arith.constant 0 : i32
    return %c0_i32, %c0_i32_0 : i32, i32
  }
  func.func @transform_6(%arg0: i32) -> (i32, i32) {
    %c0_i32 = arith.constant 0 : i32
    %c0_i32_0 = arith.constant 0 : i32
    return %arg0, %c0_i32 : i32, i32
  }
  func.func @transform_7(%arg0: i32) -> (i32, i32) {
    %c0_i32 = arith.constant 0 : i32
    %c0_i32_0 = arith.constant 0 : i32
    return %arg0, %c0_i32 : i32, i32
  }
  func.func @transform_8(%arg0: i32) -> (i32, i32) {
    %c0_i32 = arith.constant 0 : i32
    %c0_i32_0 = arith.constant 0 : i32
    return %arg0, %c0_i32 : i32, i32
  }
}

module attributes {stable_mosaic.version = 14 : i64} {
  func.func @_post_body(%arg0: i32, %arg1: memref<2000x64xf32, #tpu.memory_space<vmem>>, %arg2: memref<2000x16xf32, #tpu.memory_space<vmem>>, %arg3: memref<2000x64xf32, #tpu.memory_space<vmem>>, %arg4: memref<2000x64xf32, #tpu.memory_space<vmem>>, %arg5: memref<64x256xf32, #tpu.memory_space<vmem>>, %arg6: memref<64x256xf32, #tpu.memory_space<vmem>>, %arg7: memref<1x256xf32, #tpu.memory_space<vmem>>, %arg8: memref<64x256xf32, #tpu.memory_space<vmem>>, %arg9: memref<64x256xf32, #tpu.memory_space<vmem>>, %arg10: memref<1x256xf32, #tpu.memory_space<vmem>>, %arg11: memref<128x1xf32, #tpu.memory_space<vmem>>, %arg12: memref<1x1xf32, #tpu.memory_space<vmem>>, %arg13: memref<64x64xf32, #tpu.memory_space<vmem>>, %arg14: memref<1x64xf32, #tpu.memory_space<vmem>>, %arg15: memref<64x64xf32, #tpu.memory_space<vmem>>, %arg16: memref<1x64xf32, #tpu.memory_space<vmem>>, %arg17: memref<64x1xf32, #tpu.memory_space<vmem>>, %arg18: memref<1x1xf32, #tpu.memory_space<vmem>>, %arg19: memref<2000x1xf32, #tpu.memory_space<vmem>>) attributes {dimension_semantics = [#tpu.dimension_semantics<arbitrary>], iteration_bounds = array<i64: 25>, scalar_prefetch = 0 : i64, scratch_operands = 0 : i64, tpu.core_type = #tpu.core_type<tc>, window_params = [{transform_indices = @transform_0, window_bounds = array<i64: 2000, 64>}, {transform_indices = @transform_1, window_bounds = array<i64: 2000, 16>}, {transform_indices = @transform_2, window_bounds = array<i64: 2000, 64>}, {transform_indices = @transform_3, window_bounds = array<i64: 2000, 64>}, {pipeline_mode = #tpu.pipeline_mode<synchronous>, transform_indices = @transform_4, window_bounds = array<i64: 64, 256>}, {pipeline_mode = #tpu.pipeline_mode<synchronous>, transform_indices = @transform_5, window_bounds = array<i64: 64, 256>}, {pipeline_mode = #tpu.pipeline_mode<synchronous>, transform_indices = @transform_6, window_bounds = array<i64: 1, 256>}, {pipeline_mode = #tpu.pipeline_mode<synchronous>, transform_indices = @transform_7, window_bounds = array<i64: 64, 256>}, {pipeline_mode = #tpu.pipeline_mode<synchronous>, transform_indices = @transform_8, window_bounds = array<i64: 64, 256>}, {pipeline_mode = #tpu.pipeline_mode<synchronous>, transform_indices = @transform_9, window_bounds = array<i64: 1, 256>}, {pipeline_mode = #tpu.pipeline_mode<synchronous>, transform_indices = @transform_10, window_bounds = array<i64: 128, 1>}, {pipeline_mode = #tpu.pipeline_mode<synchronous>, transform_indices = @transform_11, window_bounds = array<i64: 1, 1>}, {pipeline_mode = #tpu.pipeline_mode<synchronous>, transform_indices = @transform_12, window_bounds = array<i64: 64, 64>}, {pipeline_mode = #tpu.pipeline_mode<synchronous>, transform_indices = @transform_13, window_bounds = array<i64: 1, 64>}, {pipeline_mode = #tpu.pipeline_mode<synchronous>, transform_indices = @transform_14, window_bounds = array<i64: 64, 64>}, {pipeline_mode = #tpu.pipeline_mode<synchronous>, transform_indices = @transform_15, window_bounds = array<i64: 1, 64>}, {pipeline_mode = #tpu.pipeline_mode<synchronous>, transform_indices = @transform_16, window_bounds = array<i64: 64, 1>}, {pipeline_mode = #tpu.pipeline_mode<synchronous>, transform_indices = @transform_17, window_bounds = array<i64: 1, 1>}, {transform_indices = @transform_18, window_bounds = array<i64: 2000, 1>}]} {
    %get3A = arith.constant 0 : index
    %get3A_0 = arith.constant 0 : index
    %get3A_1 = vector.load %arg2[%get3A, %get3A_0] : memref<2000x16xf32, #tpu.memory_space<vmem>>, vector<2000x1xf32>
    %max3A = arith.constant 1.000000e+00 : f32
    %max3A_2 = vector.broadcast %max3A : f32 to vector<2000x1xf32>
    %max3A_3 = arith.maximumf %get3A_1, %max3A_2 : vector<2000x1xf32>
    %div3A = arith.constant 1.000000e+00 : f32
    %div3A_4 = vector.broadcast %div3A : f32 to vector<2000x1xf32>
    %div3A_5 = arith.divf %div3A_4, %max3A_3 : vector<2000x1xf32>
    %get3A_6 = arith.constant 0 : index
    %get3A_7 = arith.constant 0 : index
    %get3A_8 = vector.load %arg1[%get3A_6, %get3A_7] : memref<2000x64xf32, #tpu.memory_space<vmem>>, vector<2000x64xf32>
    %mul3A = vector.broadcast %div3A_5 : vector<2000x1xf32> to vector<2000x64xf32>
    %mul3A_9 = arith.mulf %get3A_8, %mul3A : vector<2000x64xf32>
    %get3A_10 = arith.constant 0 : index
    %get3A_11 = arith.constant 0 : index
    %get3A_12 = vector.load %arg3[%get3A_10, %get3A_11] : memref<2000x64xf32, #tpu.memory_space<vmem>>, vector<2000x64xf32>
    %add3A = arith.addf %mul3A_9, %get3A_12 : vector<2000x64xf32>
    %max3A_13 = arith.constant 0.000000e+00 : f32
    %max3A_14 = vector.broadcast %max3A_13 : f32 to vector<2000x64xf32>
    %max3A_15 = arith.maximumf %add3A, %max3A_14 : vector<2000x64xf32>
    %get3A_16 = arith.constant 0 : index
    %get3A_17 = arith.constant 0 : index
    %get3A_18 = vector.load %arg4[%get3A_16, %get3A_17] : memref<2000x64xf32, #tpu.memory_space<vmem>>, vector<2000x64xf32>
    %get3A_19 = arith.constant 0 : index
    %get3A_20 = arith.constant 0 : index
    %get3A_21 = vector.load %arg7[%get3A_19, %get3A_20] : memref<1x256xf32, #tpu.memory_space<vmem>>, vector<1x256xf32>
    %get3A_22 = arith.constant 0 : index
    %get3A_23 = arith.constant 0 : index
    %get3A_24 = vector.load %arg10[%get3A_22, %get3A_23] : memref<1x256xf32, #tpu.memory_space<vmem>>, vector<1x256xf32>
    %get3A_25 = arith.constant 0 : index
    %get3A_26 = arith.constant 0 : index
    %get3A_27 = vector.load %arg5[%get3A_25, %get3A_26] : memref<64x256xf32, #tpu.memory_space<vmem>>, vector<64x256xf32>
    %dot_general3A = arith.constant dense<0.000000e+00> : vector<2000x256xf32>
    %dot_general3A_28 = tpu.matmul %get3A_18, %get3A_27, %dot_general3A {dimension_numbers = #tpu.dot_dimension_numbers<[1], [0], [0], [1], [0, 0, 1, 1], [], []>, transpose_lhs_hint = false} : vector<2000x64xf32>, vector<64x256xf32>, vector<2000x256xf32> -> vector<2000x256xf32>
    %add3A_29 = vector.broadcast %get3A_21 : vector<1x256xf32> to vector<2000x256xf32>
    %add3A_30 = arith.addf %dot_general3A_28, %add3A_29 : vector<2000x256xf32>
    %slice3A = vector.extract_strided_slice %add3A_30 {offsets = [0, 0], sizes = [2000, 64], strides = [1, 1]} : vector<2000x256xf32> to vector<2000x64xf32>
    %logistic3A = arith.negf %slice3A : vector<2000x64xf32>
    %logistic3A_31 = math.exp %logistic3A : vector<2000x64xf32>
    %logistic3A_32 = arith.constant 1.000000e+00 : f32
    %logistic3A_33 = vector.broadcast %logistic3A_32 : f32 to vector<2000x64xf32>
    %logistic3A_34 = arith.addf %logistic3A_33, %logistic3A_31 : vector<2000x64xf32>
    %logistic3A_35 = arith.divf %logistic3A_33, %logistic3A_34 : vector<2000x64xf32>
    %slice3A_36 = vector.extract_strided_slice %add3A_30 {offsets = [0, 128], sizes = [2000, 64], strides = [1, 1]} : vector<2000x256xf32> to vector<2000x64xf32>
    %tanh3A = math.tanh %slice3A_36 : vector<2000x64xf32>
    %slice3A_37 = vector.extract_strided_slice %add3A_30 {offsets = [0, 192], sizes = [2000, 64], strides = [1, 1]} : vector<2000x256xf32> to vector<2000x64xf32>
    %logistic3A_38 = arith.negf %slice3A_37 : vector<2000x64xf32>
    %logistic3A_39 = math.exp %logistic3A_38 : vector<2000x64xf32>
    %logistic3A_40 = arith.constant 1.000000e+00 : f32
    %logistic3A_41 = vector.broadcast %logistic3A_40 : f32 to vector<2000x64xf32>
    %logistic3A_42 = arith.addf %logistic3A_41, %logistic3A_39 : vector<2000x64xf32>
    %logistic3A_43 = arith.divf %logistic3A_41, %logistic3A_42 : vector<2000x64xf32>
    %mul3A_44 = arith.mulf %logistic3A_35, %tanh3A : vector<2000x64xf32>
    %tanh3A_45 = math.tanh %mul3A_44 : vector<2000x64xf32>
    %mul3A_46 = arith.mulf %logistic3A_43, %tanh3A_45 : vector<2000x64xf32>
    %get3A_47 = arith.constant 0 : index
    %get3A_48 = arith.constant 0 : index
    %get3A_49 = vector.load %arg5[%get3A_47, %get3A_48] : memref<64x256xf32, #tpu.memory_space<vmem>>, vector<64x256xf32>
    %get3A_50 = arith.constant 0 : index
    %get3A_51 = arith.constant 0 : index
    %get3A_52 = vector.load %arg6[%get3A_50, %get3A_51] : memref<64x256xf32, #tpu.memory_space<vmem>>, vector<64x256xf32>
    %dot_general3A_53 = arith.constant dense<0.000000e+00> : vector<2000x256xf32>
    %dot_general3A_54 = tpu.matmul %max3A_15, %get3A_49, %dot_general3A_53 {dimension_numbers = #tpu.dot_dimension_numbers<[1], [0], [0], [1], [0, 0, 1, 1], [], []>, transpose_lhs_hint = false} : vector<2000x64xf32>, vector<64x256xf32>, vector<2000x256xf32> -> vector<2000x256xf32>
    %add3A_55 = vector.broadcast %get3A_21 : vector<1x256xf32> to vector<2000x256xf32>
    %add3A_56 = arith.addf %dot_general3A_54, %add3A_55 : vector<2000x256xf32>
    %dot_general3A_57 = arith.constant dense<0.000000e+00> : vector<2000x256xf32>
    %dot_general3A_58 = tpu.matmul %mul3A_46, %get3A_52, %dot_general3A_57 {dimension_numbers = #tpu.dot_dimension_numbers<[1], [0], [0], [1], [0, 0, 1, 1], [], []>, transpose_lhs_hint = false} : vector<2000x64xf32>, vector<64x256xf32>, vector<2000x256xf32> -> vector<2000x256xf32>
    %add3A_59 = arith.addf %add3A_56, %dot_general3A_58 : vector<2000x256xf32>
    %slice3A_60 = vector.extract_strided_slice %add3A_59 {offsets = [0, 0], sizes = [2000, 64], strides = [1, 1]} : vector<2000x256xf32> to vector<2000x64xf32>
    %logistic3A_61 = arith.negf %slice3A_60 : vector<2000x64xf32>
    %logistic3A_62 = math.exp %logistic3A_61 : vector<2000x64xf32>
    %logistic3A_63 = arith.constant 1.000000e+00 : f32
    %logistic3A_64 = vector.broadcast %logistic3A_63 : f32 to vector<2000x64xf32>
    %logistic3A_65 = arith.addf %logistic3A_64, %logistic3A_62 : vector<2000x64xf32>
    %logistic3A_66 = arith.divf %logistic3A_64, %logistic3A_65 : vector<2000x64xf32>
    %slice3A_67 = vector.extract_strided_slice %add3A_59 {offsets = [0, 64], sizes = [2000, 64], strides = [1, 1]} : vector<2000x256xf32> to vector<2000x64xf32>
    %logistic3A_68 = arith.negf %slice3A_67 : vector<2000x64xf32>
    %logistic3A_69 = math.exp %logistic3A_68 : vector<2000x64xf32>
    %logistic3A_70 = arith.constant 1.000000e+00 : f32
    %logistic3A_71 = vector.broadcast %logistic3A_70 : f32 to vector<2000x64xf32>
    %logistic3A_72 = arith.addf %logistic3A_71, %logistic3A_69 : vector<2000x64xf32>
    %logistic3A_73 = arith.divf %logistic3A_71, %logistic3A_72 : vector<2000x64xf32>
    %slice3A_74 = vector.extract_strided_slice %add3A_59 {offsets = [0, 128], sizes = [2000, 64], strides = [1, 1]} : vector<2000x256xf32> to vector<2000x64xf32>
    %tanh3A_75 = math.tanh %slice3A_74 : vector<2000x64xf32>
    %slice3A_76 = vector.extract_strided_slice %add3A_59 {offsets = [0, 192], sizes = [2000, 64], strides = [1, 1]} : vector<2000x256xf32> to vector<2000x64xf32>
    %logistic3A_77 = arith.negf %slice3A_76 : vector<2000x64xf32>
    %logistic3A_78 = math.exp %logistic3A_77 : vector<2000x64xf32>
    %logistic3A_79 = arith.constant 1.000000e+00 : f32
    %logistic3A_80 = vector.broadcast %logistic3A_79 : f32 to vector<2000x64xf32>
    %logistic3A_81 = arith.addf %logistic3A_80, %logistic3A_78 : vector<2000x64xf32>
    %logistic3A_82 = arith.divf %logistic3A_80, %logistic3A_81 : vector<2000x64xf32>
    %mul3A_83 = arith.mulf %logistic3A_73, %mul3A_44 : vector<2000x64xf32>
    %mul3A_84 = arith.mulf %logistic3A_66, %tanh3A_75 : vector<2000x64xf32>
    %add3A_85 = arith.addf %mul3A_83, %mul3A_84 : vector<2000x64xf32>
    %tanh3A_86 = math.tanh %add3A_85 : vector<2000x64xf32>
    %mul3A_87 = arith.mulf %logistic3A_82, %tanh3A_86 : vector<2000x64xf32>
    %get3A_88 = arith.constant 0 : index
    %get3A_89 = arith.constant 0 : index
    %get3A_90 = vector.load %arg8[%get3A_88, %get3A_89] : memref<64x256xf32, #tpu.memory_space<vmem>>, vector<64x256xf32>
    %dot_general3A_91 = arith.constant dense<0.000000e+00> : vector<2000x256xf32>
    %dot_general3A_92 = tpu.matmul %max3A_15, %get3A_90, %dot_general3A_91 {dimension_numbers = #tpu.dot_dimension_numbers<[1], [0], [0], [1], [0, 0, 1, 1], [], []>, transpose_lhs_hint = false} : vector<2000x64xf32>, vector<64x256xf32>, vector<2000x256xf32> -> vector<2000x256xf32>
    %add3A_93 = vector.broadcast %get3A_24 : vector<1x256xf32> to vector<2000x256xf32>
    %add3A_94 = arith.addf %dot_general3A_92, %add3A_93 : vector<2000x256xf32>
    %slice3A_95 = vector.extract_strided_slice %add3A_94 {offsets = [0, 0], sizes = [2000, 64], strides = [1, 1]} : vector<2000x256xf32> to vector<2000x64xf32>
    %logistic3A_96 = arith.negf %slice3A_95 : vector<2000x64xf32>
    %logistic3A_97 = math.exp %logistic3A_96 : vector<2000x64xf32>
    %logistic3A_98 = arith.constant 1.000000e+00 : f32
    %logistic3A_99 = vector.broadcast %logistic3A_98 : f32 to vector<2000x64xf32>
    %logistic3A_100 = arith.addf %logistic3A_99, %logistic3A_97 : vector<2000x64xf32>
    %logistic3A_101 = arith.divf %logistic3A_99, %logistic3A_100 : vector<2000x64xf32>
    %slice3A_102 = vector.extract_strided_slice %add3A_94 {offsets = [0, 128], sizes = [2000, 64], strides = [1, 1]} : vector<2000x256xf32> to vector<2000x64xf32>
    %tanh3A_103 = math.tanh %slice3A_102 : vector<2000x64xf32>
    %slice3A_104 = vector.extract_strided_slice %add3A_94 {offsets = [0, 192], sizes = [2000, 64], strides = [1, 1]} : vector<2000x256xf32> to vector<2000x64xf32>
    %logistic3A_105 = arith.negf %slice3A_104 : vector<2000x64xf32>
    %logistic3A_106 = math.exp %logistic3A_105 : vector<2000x64xf32>
    %logistic3A_107 = arith.constant 1.000000e+00 : f32
    %logistic3A_108 = vector.broadcast %logistic3A_107 : f32 to vector<2000x64xf32>
    %logistic3A_109 = arith.addf %logistic3A_108, %logistic3A_106 : vector<2000x64xf32>
    %logistic3A_110 = arith.divf %logistic3A_108, %logistic3A_109 : vector<2000x64xf32>
    %mul3A_111 = arith.mulf %logistic3A_101, %tanh3A_103 : vector<2000x64xf32>
    %tanh3A_112 = math.tanh %mul3A_111 : vector<2000x64xf32>
    %mul3A_113 = arith.mulf %logistic3A_110, %tanh3A_112 : vector<2000x64xf32>
    %get3A_114 = arith.constant 0 : index
    %get3A_115 = arith.constant 0 : index
    %get3A_116 = vector.load %arg8[%get3A_114, %get3A_115] : memref<64x256xf32, #tpu.memory_space<vmem>>, vector<64x256xf32>
    %get3A_117 = arith.constant 0 : index
    %get3A_118 = arith.constant 0 : index
    %get3A_119 = vector.load %arg9[%get3A_117, %get3A_118] : memref<64x256xf32, #tpu.memory_space<vmem>>, vector<64x256xf32>
    %dot_general3A_120 = arith.constant dense<0.000000e+00> : vector<2000x256xf32>
    %dot_general3A_121 = tpu.matmul %get3A_18, %get3A_116, %dot_general3A_120 {dimension_numbers = #tpu.dot_dimension_numbers<[1], [0], [0], [1], [0, 0, 1, 1], [], []>, transpose_lhs_hint = false} : vector<2000x64xf32>, vector<64x256xf32>, vector<2000x256xf32> -> vector<2000x256xf32>
    %add3A_122 = vector.broadcast %get3A_24 : vector<1x256xf32> to vector<2000x256xf32>
    %add3A_123 = arith.addf %dot_general3A_121, %add3A_122 : vector<2000x256xf32>
    %dot_general3A_124 = arith.constant dense<0.000000e+00> : vector<2000x256xf32>
    %dot_general3A_125 = tpu.matmul %mul3A_113, %get3A_119, %dot_general3A_124 {dimension_numbers = #tpu.dot_dimension_numbers<[1], [0], [0], [1], [0, 0, 1, 1], [], []>, transpose_lhs_hint = false} : vector<2000x64xf32>, vector<64x256xf32>, vector<2000x256xf32> -> vector<2000x256xf32>
    %add3A_126 = arith.addf %add3A_123, %dot_general3A_125 : vector<2000x256xf32>
    %slice3A_127 = vector.extract_strided_slice %add3A_126 {offsets = [0, 0], sizes = [2000, 64], strides = [1, 1]} : vector<2000x256xf32> to vector<2000x64xf32>
    %logistic3A_128 = arith.negf %slice3A_127 : vector<2000x64xf32>
    %logistic3A_129 = math.exp %logistic3A_128 : vector<2000x64xf32>
    %logistic3A_130 = arith.constant 1.000000e+00 : f32
    %logistic3A_131 = vector.broadcast %logistic3A_130 : f32 to vector<2000x64xf32>
    %logistic3A_132 = arith.addf %logistic3A_131, %logistic3A_129 : vector<2000x64xf32>
    %logistic3A_133 = arith.divf %logistic3A_131, %logistic3A_132 : vector<2000x64xf32>
    %slice3A_134 = vector.extract_strided_slice %add3A_126 {offsets = [0, 64], sizes = [2000, 64], strides = [1, 1]} : vector<2000x256xf32> to vector<2000x64xf32>
    %logistic3A_135 = arith.negf %slice3A_134 : vector<2000x64xf32>
    %logistic3A_136 = math.exp %logistic3A_135 : vector<2000x64xf32>
    %logistic3A_137 = arith.constant 1.000000e+00 : f32
    %logistic3A_138 = vector.broadcast %logistic3A_137 : f32 to vector<2000x64xf32>
    %logistic3A_139 = arith.addf %logistic3A_138, %logistic3A_136 : vector<2000x64xf32>
    %logistic3A_140 = arith.divf %logistic3A_138, %logistic3A_139 : vector<2000x64xf32>
    %slice3A_141 = vector.extract_strided_slice %add3A_126 {offsets = [0, 128], sizes = [2000, 64], strides = [1, 1]} : vector<2000x256xf32> to vector<2000x64xf32>
    %tanh3A_142 = math.tanh %slice3A_141 : vector<2000x64xf32>
    %slice3A_143 = vector.extract_strided_slice %add3A_126 {offsets = [0, 192], sizes = [2000, 64], strides = [1, 1]} : vector<2000x256xf32> to vector<2000x64xf32>
    %logistic3A_144 = arith.negf %slice3A_143 : vector<2000x64xf32>
    %logistic3A_145 = math.exp %logistic3A_144 : vector<2000x64xf32>
    %logistic3A_146 = arith.constant 1.000000e+00 : f32
    %logistic3A_147 = vector.broadcast %logistic3A_146 : f32 to vector<2000x64xf32>
    %logistic3A_148 = arith.addf %logistic3A_147, %logistic3A_145 : vector<2000x64xf32>
    %logistic3A_149 = arith.divf %logistic3A_147, %logistic3A_148 : vector<2000x64xf32>
    %mul3A_150 = arith.mulf %logistic3A_140, %mul3A_111 : vector<2000x64xf32>
    %mul3A_151 = arith.mulf %logistic3A_133, %tanh3A_142 : vector<2000x64xf32>
    %add3A_152 = arith.addf %mul3A_150, %mul3A_151 : vector<2000x64xf32>
    %tanh3A_153 = math.tanh %add3A_152 : vector<2000x64xf32>
    %mul3A_154 = arith.mulf %logistic3A_149, %tanh3A_153 : vector<2000x64xf32>
    %get3A_155 = arith.constant 0 : index
    %get3A_156 = arith.constant 0 : index
    %get3A_157 = vector.load %arg11[%get3A_155, %get3A_156] : memref<128x1xf32, #tpu.memory_space<vmem>>, vector<128x1xf32>
    %get3A_158 = arith.constant 0 : index
    %get3A_159 = arith.constant 0 : index
    %get3A_160 = vector.load %arg12[%get3A_158, %get3A_159] : memref<1x1xf32, #tpu.memory_space<vmem>>, vector<1x1xf32>
    %concatenate3A = tpu.concatenate %mul3A_46, %mul3A_154 in 1 : vector<2000x64xf32>, vector<2000x64xf32> -> vector<2000x128xf32>
    %concatenate3A_161 = tpu.concatenate %mul3A_87, %mul3A_113 in 1 : vector<2000x64xf32>, vector<2000x64xf32> -> vector<2000x128xf32>
    %dot_general3A_162 = arith.constant dense<0.000000e+00> : vector<2000x1xf32>
    %dot_general3A_163 = tpu.matmul %concatenate3A, %get3A_157, %dot_general3A_162 {dimension_numbers = #tpu.dot_dimension_numbers<[1], [0], [0], [1], [0, 0, 1, 1], [], []>, transpose_lhs_hint = false} : vector<2000x128xf32>, vector<128x1xf32>, vector<2000x1xf32> -> vector<2000x1xf32>
    %add3A_164 = vector.broadcast %get3A_160 : vector<1x1xf32> to vector<2000x1xf32>
    %add3A_165 = arith.addf %dot_general3A_163, %add3A_164 : vector<2000x1xf32>
    %dot_general3A_166 = arith.constant dense<0.000000e+00> : vector<2000x1xf32>
    %dot_general3A_167 = tpu.matmul %concatenate3A_161, %get3A_157, %dot_general3A_166 {dimension_numbers = #tpu.dot_dimension_numbers<[1], [0], [0], [1], [0, 0, 1, 1], [], []>, transpose_lhs_hint = false} : vector<2000x128xf32>, vector<128x1xf32>, vector<2000x1xf32> -> vector<2000x1xf32>
    %add3A_168 = vector.broadcast %get3A_160 : vector<1x1xf32> to vector<2000x1xf32>
    %add3A_169 = arith.addf %dot_general3A_167, %add3A_168 : vector<2000x1xf32>
    %max3A_170 = arith.maximumf %add3A_165, %add3A_169 : vector<2000x1xf32>
    %sub3A = arith.subf %add3A_165, %max3A_170 : vector<2000x1xf32>
    %exp3A = math.exp %sub3A : vector<2000x1xf32>
    %sub3A_171 = arith.subf %add3A_169, %max3A_170 : vector<2000x1xf32>
    %exp3A_172 = math.exp %sub3A_171 : vector<2000x1xf32>
    %add3A_173 = arith.addf %exp3A, %exp3A_172 : vector<2000x1xf32>
    %div3A_174 = arith.constant 1.000000e+00 : f32
    %div3A_175 = vector.broadcast %div3A_174 : f32 to vector<2000x1xf32>
    %div3A_176 = arith.divf %div3A_175, %add3A_173 : vector<2000x1xf32>
    %mul3A_177 = arith.mulf %exp3A, %div3A_176 : vector<2000x1xf32>
    %mul3A_178 = vector.broadcast %mul3A_177 : vector<2000x1xf32> to vector<2000x64xf32>
    %mul3A_179 = arith.mulf %get3A_18, %mul3A_178 : vector<2000x64xf32>
    %mul3A_180 = arith.mulf %exp3A_172, %div3A_176 : vector<2000x1xf32>
    %mul3A_181 = vector.broadcast %mul3A_180 : vector<2000x1xf32> to vector<2000x64xf32>
    %mul3A_182 = arith.mulf %max3A_15, %mul3A_181 : vector<2000x64xf32>
    %add3A_183 = arith.addf %mul3A_179, %mul3A_182 : vector<2000x64xf32>
    %get3A_184 = arith.constant 0 : index
    %get3A_185 = arith.constant 0 : index
    %get3A_186 = vector.load %arg13[%get3A_184, %get3A_185] : memref<64x64xf32, #tpu.memory_space<vmem>>, vector<64x64xf32>
    %dot_general3A_187 = arith.constant dense<0.000000e+00> : vector<2000x64xf32>
    %dot_general3A_188 = tpu.matmul %add3A_183, %get3A_186, %dot_general3A_187 {dimension_numbers = #tpu.dot_dimension_numbers<[1], [0], [0], [1], [0, 0, 1, 1], [], []>, transpose_lhs_hint = false} : vector<2000x64xf32>, vector<64x64xf32>, vector<2000x64xf32> -> vector<2000x64xf32>
    %get3A_189 = arith.constant 0 : index
    %get3A_190 = arith.constant 0 : index
    %get3A_191 = vector.load %arg14[%get3A_189, %get3A_190] : memref<1x64xf32, #tpu.memory_space<vmem>>, vector<1x64xf32>
    %add3A_192 = vector.broadcast %get3A_191 : vector<1x64xf32> to vector<2000x64xf32>
    %add3A_193 = arith.addf %dot_general3A_188, %add3A_192 : vector<2000x64xf32>
    %get3A_194 = arith.constant 0 : index
    %get3A_195 = arith.constant 0 : index
    %get3A_196 = vector.load %arg15[%get3A_194, %get3A_195] : memref<64x64xf32, #tpu.memory_space<vmem>>, vector<64x64xf32>
    %dot_general3A_197 = arith.constant dense<0.000000e+00> : vector<2000x64xf32>
    %dot_general3A_198 = tpu.matmul %add3A_193, %get3A_196, %dot_general3A_197 {dimension_numbers = #tpu.dot_dimension_numbers<[1], [0], [0], [1], [0, 0, 1, 1], [], []>, transpose_lhs_hint = false} : vector<2000x64xf32>, vector<64x64xf32>, vector<2000x64xf32> -> vector<2000x64xf32>
    %get3A_199 = arith.constant 0 : index
    %get3A_200 = arith.constant 0 : index
    %get3A_201 = vector.load %arg16[%get3A_199, %get3A_200] : memref<1x64xf32, #tpu.memory_space<vmem>>, vector<1x64xf32>
    %add3A_202 = vector.broadcast %get3A_201 : vector<1x64xf32> to vector<2000x64xf32>
    %add3A_203 = arith.addf %dot_general3A_198, %add3A_202 : vector<2000x64xf32>
    %max3A_204 = arith.constant 0.000000e+00 : f32
    %max3A_205 = vector.broadcast %max3A_204 : f32 to vector<2000x64xf32>
    %max3A_206 = arith.maximumf %add3A_203, %max3A_205 : vector<2000x64xf32>
    %get3A_207 = arith.constant 0 : index
    %get3A_208 = arith.constant 0 : index
    %get3A_209 = vector.load %arg17[%get3A_207, %get3A_208] : memref<64x1xf32, #tpu.memory_space<vmem>>, vector<64x1xf32>
    %dot_general3A_210 = arith.constant dense<0.000000e+00> : vector<2000x1xf32>
    %dot_general3A_211 = tpu.matmul %max3A_206, %get3A_209, %dot_general3A_210 {dimension_numbers = #tpu.dot_dimension_numbers<[1], [0], [0], [1], [0, 0, 1, 1], [], []>, transpose_lhs_hint = false} : vector<2000x64xf32>, vector<64x1xf32>, vector<2000x1xf32> -> vector<2000x1xf32>
    %get3A_212 = arith.constant 0 : index
    %get3A_213 = arith.constant 0 : index
    %get3A_214 = vector.load %arg18[%get3A_212, %get3A_213] : memref<1x1xf32, #tpu.memory_space<vmem>>, vector<1x1xf32>
    %add3A_215 = vector.broadcast %get3A_214 : vector<1x1xf32> to vector<2000x1xf32>
    %add3A_216 = arith.addf %dot_general3A_211, %add3A_215 : vector<2000x1xf32>
    %max3A_217 = arith.constant 0.000000e+00 : f32
    %max3A_218 = vector.broadcast %max3A_217 : f32 to vector<2000x1xf32>
    %max3A_219 = arith.maximumf %add3A_216, %max3A_218 : vector<2000x1xf32>
    %swap3A = arith.constant 0 : index
    %swap3A_220 = arith.constant 0 : index
    %swap3A_221 = vector.load %arg19[%swap3A, %swap3A_220] : memref<2000x1xf32, #tpu.memory_space<vmem>>, vector<2000x1xf32>
    tpu.vector_store %arg19[%swap3A, %swap3A_220], %max3A_219 {strides = array<i32>} : memref<2000x1xf32, #tpu.memory_space<vmem>>, vector<2000x1xf32>,
    return
  }
  func.func @transform_0(%arg0: i32) -> (i32, i32) {
    %c0_i32 = arith.constant 0 : i32
    %c0_i32_0 = arith.constant 0 : i32
    return %arg0, %c0_i32 : i32, i32
  }
  func.func @transform_1(%arg0: i32) -> (i32, i32) {
    %c0_i32 = arith.constant 0 : i32
    %c0_i32_0 = arith.constant 0 : i32
    return %arg0, %c0_i32 : i32, i32
  }
  func.func @transform_2(%arg0: i32) -> (i32, i32) {
    %c0_i32 = arith.constant 0 : i32
    %c0_i32_0 = arith.constant 0 : i32
    return %arg0, %c0_i32 : i32, i32
  }
  func.func @transform_3(%arg0: i32) -> (i32, i32) {
    %c0_i32 = arith.constant 0 : i32
    %c0_i32_0 = arith.constant 0 : i32
    return %arg0, %c0_i32 : i32, i32
  }
  func.func @transform_4(%arg0: i32) -> (i32, i32) {
    %c0_i32 = arith.constant 0 : i32
    %c0_i32_0 = arith.constant 0 : i32
    %c0_i32_1 = arith.constant 0 : i32
    return %c0_i32, %c0_i32_0 : i32, i32
  }
  func.func @transform_5(%arg0: i32) -> (i32, i32) {
    %c0_i32 = arith.constant 0 : i32
    %c0_i32_0 = arith.constant 0 : i32
    %c0_i32_1 = arith.constant 0 : i32
    return %c0_i32, %c0_i32_0 : i32, i32
  }
  func.func @transform_6(%arg0: i32) -> (i32, i32) {
    %c0_i32 = arith.constant 0 : i32
    %c0_i32_0 = arith.constant 0 : i32
    %c0_i32_1 = arith.constant 0 : i32
    return %c0_i32, %c0_i32_0 : i32, i32
  }
  func.func @transform_7(%arg0: i32) -> (i32, i32) {
    %c0_i32 = arith.constant 0 : i32
    %c0_i32_0 = arith.constant 0 : i32
    %c0_i32_1 = arith.constant 0 : i32
    return %c0_i32, %c0_i32_0 : i32, i32
  }
  func.func @transform_8(%arg0: i32) -> (i32, i32) {
    %c0_i32 = arith.constant 0 : i32
    %c0_i32_0 = arith.constant 0 : i32
    %c0_i32_1 = arith.constant 0 : i32
    return %c0_i32, %c0_i32_0 : i32, i32
  }
  func.func @transform_9(%arg0: i32) -> (i32, i32) {
    %c0_i32 = arith.constant 0 : i32
    %c0_i32_0 = arith.constant 0 : i32
    %c0_i32_1 = arith.constant 0 : i32
    return %c0_i32, %c0_i32_0 : i32, i32
  }
  func.func @transform_10(%arg0: i32) -> (i32, i32) {
    %c0_i32 = arith.constant 0 : i32
    %c0_i32_0 = arith.constant 0 : i32
    %c0_i32_1 = arith.constant 0 : i32
    return %c0_i32, %c0_i32_0 : i32, i32
  }
  func.func @transform_11(%arg0: i32) -> (i32, i32) {
    %c0_i32 = arith.constant 0 : i32
    %c0_i32_0 = arith.constant 0 : i32
    %c0_i32_1 = arith.constant 0 : i32
    return %c0_i32, %c0_i32_0 : i32, i32
  }
  func.func @transform_12(%arg0: i32) -> (i32, i32) {
    %c0_i32 = arith.constant 0 : i32
    %c0_i32_0 = arith.constant 0 : i32
    %c0_i32_1 = arith.constant 0 : i32
    return %c0_i32, %c0_i32_0 : i32, i32
  }
  func.func @transform_13(%arg0: i32) -> (i32, i32) {
    %c0_i32 = arith.constant 0 : i32
    %c0_i32_0 = arith.constant 0 : i32
    %c0_i32_1 = arith.constant 0 : i32
    return %c0_i32, %c0_i32_0 : i32, i32
  }
  func.func @transform_14(%arg0: i32) -> (i32, i32) {
    %c0_i32 = arith.constant 0 : i32
    %c0_i32_0 = arith.constant 0 : i32
    %c0_i32_1 = arith.constant 0 : i32
    return %c0_i32, %c0_i32_0 : i32, i32
  }
  func.func @transform_15(%arg0: i32) -> (i32, i32) {
    %c0_i32 = arith.constant 0 : i32
    %c0_i32_0 = arith.constant 0 : i32
    %c0_i32_1 = arith.constant 0 : i32
    return %c0_i32, %c0_i32_0 : i32, i32
  }
  func.func @transform_16(%arg0: i32) -> (i32, i32) {
    %c0_i32 = arith.constant 0 : i32
    %c0_i32_0 = arith.constant 0 : i32
    %c0_i32_1 = arith.constant 0 : i32
    return %c0_i32, %c0_i32_0 : i32, i32
  }
  func.func @transform_17(%arg0: i32) -> (i32, i32) {
    %c0_i32 = arith.constant 0 : i32
    %c0_i32_0 = arith.constant 0 : i32
    %c0_i32_1 = arith.constant 0 : i32
    return %c0_i32, %c0_i32_0 : i32, i32
  }
  func.func @transform_18(%arg0: i32) -> (i32, i32) {
    %c0_i32 = arith.constant 0 : i32
    %c0_i32_0 = arith.constant 0 : i32
    return %arg0, %c0_i32 : i32, i32
  }
}

</mosaic_0001>

<sc_bundles>
// kernel: kernel.11.cloned.1.call-start
scs
__scs_entry_jumppad:
0x0: {  	(pc) =	sbr.rel $0x88, $3  }
0x1: {  	(tag) =	ssettag $0x0;
	lr =	simm.s32 $0x1  }
0x2: {  	[smem:$0x3F89] =	sst lr;
	_ =	strace $0xD0000000  }
0x3: {  	_ = 	snop  }
0x4: {  	_ = 	snop  }
0x5: {  	_ = 	snop  }
0x6: {  	_ = 	snop  }
0x7: {  	_ = 	snop  }
__scs_overlays_trampoline_lowered:
0x8: {  	[smem:$0x3F98] =	sst s0  }
0x9: {  	[smem:$0x3F99] =	sst s1  }
0xa: {  	[smem:$0x3F9A] =	sst s2  }
0xb: {  	[smem:$0x3F9B] =	sst s3  }
0xc: {  	[smem:$0x3F9C] =	sst s4  }
0xd: {  	[smem:$0x3F9D] =	sst s5  }
0xe: {  	[smem:$0x3F9E] =	sst s6  }
0xf: {  	[smem:$0x3F9F] =	sst s7  }
0x10: {  	[smem:$0x3FA0] =	sst s8  }
0x11: {  	[smem:$0x3FA1] =	sst s9;
	s0 =	simm.s32 @!p0 $0x0  }
0x12: {  	s1 =	sld [smem:$0x3F87];
	s0 =	simm.s32 @p0 $0x1  }
0x13: {  	[smem:$0x3FA2] =	sst s0;
	s0 =	simm.s32 @!p1 $0x0  }
0x14: {  	s2 =	sld [smem:$0x3F86];
	s0 =	simm.s32 @p1 $0x1  }
0x15: {  	[smem:$0x3FA3] =	sst s0;
	s0 =	simm.s32 @!p2 $0x0  }
0x16: {  	s3 =	sld [smem:$0x3FDB];
	s0 =	simm.s32 @p2 $0x1  }
0x17: {  	s4 =	simm.s32 $0x1BF5;
	[smem:$0x3FA5] =	sst s0  }
0x18: {  	s0 =	sld [smem:$0x3F88];
	_ =	swait.ge [sflag:s4], $0x0  }
0x19: {  	s7 =	sld [smem:$0x3F89]  }
0x1a: {  	s8 =	sadd.s32 $0xFFFFE003, lr  }
0x1b: {  	s9 =	sadd.s32 $0xFFFFFEF7, lr;
	s5 =	simm.s32 $0xFFFFFFFF;
	p2 =	slt.u32 s8, $0xFFFFF086  }
0x1c: {  	p1 =	slt.u32 s9, $0xF7A;
	s5 =	simm.s32 @!p2 $0x0  }
0x1d: {  	s5 =	simm.s32 @p1 $0x1;
	p0 =	seq.s32 s7, s2  }
0x1e: {  	s7 =	smul.u32 @!p0 $0xF7A, s2;
	p2 =	seq.s32 @!p0 s5, $0x0  }
0x1f: {  	s9 =	smul.u32 $0xF7A, s1;
	s8 =	simm.s32 @!p0 $0x1BF5;
	p2 =	por !p2, p0  }
0x20: {  	[sflag:s8] =	ssyncset.s32 @!p0 $0xFFFFF086;
	s6 =	sadd.s32 @!p0 s3, s7;
	s7 =	simm.s32 @!p0 $0x108  }
0x21: {  	s3 =	sadd.s32 s3, s9;
	s6 =	sadd.s32 @!p0 $0x88, s6;
	s7 =	simm.s32 @p2 $0x1082  }
0x22: {  	[simem:s7], [sflag:s8] =	dma.local @!p0 [hbm:s6], $0xF7A  }
0x23: {  	s9 =	sor.u32 $0xD0000000, s2;
	s6 =	simm.s32 $0x108;
	_ =	swait.ge @!p0 [sflag:s8], $0x0  }
0x24: {  	s3 =	sadd.s32 $0x88, s3;
	s6 =	simm.s32 @!p1 $0x1082;
	[sflag:s4] =	ssyncset.s32 $0xFFFFF086  }
0x25: {  	[simem:s6], [sflag:s4] =	dma.local [hbm:s3], $0xF7A  }
0x26: {  	[smem:$0x3F89] =	sst s1;
	(tag) =	ssettag s2;
	_ =	strace s9  }
0x27: {  	s1 =	sld [smem:$0x3F99]  }
0x28: {  	s2 =	sld [smem:$0x3F9A]  }
0x29: {  	s4 =	sld [smem:$0x3F9C]  }
0x2a: {  	p0 =	seq.s32 s5, $0x0;
	s5 =	sld [smem:$0x3F9D]  }
0x2b: {  	s6 =	sld [smem:$0x3F9E]  }
0x2c: {  	s7 =	sld [smem:$0x3F9F]  }
0x2d: {  	s3 =	simm.s32 $0x108;
	s8 =	sld [smem:$0x3FA0]  }
0x2e: {  	s3 =	simm.s32 @!p0 $0x1082;
	s9 =	sld [smem:$0x3FA1]  }
0x2f: {  	lr =	sadd.s32 s0, s3;
	s0 =	sld [smem:$0x3F98]  }
0x30: {  	s3 =	sld [smem:$0x3F9B]  }
0x31: {  	[smem:$0x3FA4] =	sst s10  }
0x32: {  	s10 =	sld [smem:$0x3FA2];
	_ =	sdelay $0x3  }
0x33: {  	p0 =	seq.s32 s10, $0x1;
	s10 =	sld [smem:$0x3FA4];
	_ =	sdelay $0x3  }
0x34: {  	[smem:$0x3FA4] =	sst s10  }
0x35: {  	s10 =	sld [smem:$0x3FA3];
	_ =	sdelay $0x3  }
0x36: {  	p1 =	seq.s32 s10, $0x1;
	s10 =	sld [smem:$0x3FA4];
	_ =	sdelay $0x3  }
0x37: {  	[smem:$0x3FA4] =	sst s10  }
0x38: {  	s10 =	sld [smem:$0x3FA5]  }
0x39: {  	_ = 	snop;
	(pc) =	sbr.ind lr, $3  }
0x3a: {  	_ = 	snop  }
0x3b: {  	_ = 	snop  }
0x3c: {  	p2 =	seq.s32 s10, $0x1;
	s10 =	sld [smem:$0x3FA4]  }
0x3d: {  	_ =	shalt  }
0x3e: {  	_ =	shalt  }
0x3f: {  	_ =	shalt  }
0x40: {  	_ =	shalt  }
0x41: {  	_ =	shalt  }
0x42: {  	_ =	shalt  }
0x43: {  	_ =	shalt  }
0x44: {  	_ =	shalt  }
0x45: {  	_ =	shalt  }
0x46: {  	_ =	shalt  }
0x47: {  	_ =	shalt  }
0x48: {  	_ =	shalt  }
0x49: {  	_ =	shalt  }
0x4a: {  	_ =	shalt  }
0x4b: {  	_ =	shalt  }
0x4c: {  	_ =	shalt  }
0x4d: {  	_ =	shalt  }
0x4e: {  	_ =	shalt  }
0x4f: {  	_ =	shalt  }
0x50: {  	_ =	shalt  }
0x51: {  	_ =	shalt  }
0x52: {  	_ =	shalt  }
0x53: {  	_ =	shalt  }
0x54: {  	_ =	shalt  }
0x55: {  	_ =	shalt  }
0x56: {  	_ =	shalt  }
0x57: {  	_ =	shalt  }
0x58: {  	_ =	shalt  }
0x59: {  	_ =	shalt  }
0x5a: {  	_ =	shalt  }
0x5b: {  	_ =	shalt  }
0x5c: {  	_ =	shalt  }
0x5d: {  	_ =	shalt  }
0x5e: {  	_ =	shalt  }
0x5f: {  	_ =	shalt  }
0x60: {  	_ =	shalt  }
0x61: {  	_ =	shalt  }
0x62: {  	_ =	shalt  }
0x63: {  	_ =	shalt  }
0x64: {  	_ =	shalt  }
0x65: {  	_ =	shalt  }
0x66: {  	_ =	shalt  }
0x67: {  	_ =	shalt  }
0x68: {  	_ =	shalt  }
0x69: {  	_ =	shalt  }
0x6a: {  	_ =	shalt  }
0x6b: {  	_ =	shalt  }
0x6c: {  	_ =	shalt  }
0x6d: {  	_ =	shalt  }
0x6e: {  	_ =	shalt  }
0x6f: {  	_ =	shalt  }
0x70: {  	_ =	shalt  }
0x71: {  	_ =	shalt  }
0x72: {  	_ =	shalt  }
0x73: {  	_ =	shalt  }
0x74: {  	_ =	shalt  }
0x75: {  	_ =	shalt  }
0x76: {  	_ =	shalt  }
0x77: {  	_ =	shalt  }
0x78: {  	_ =	shalt  }
0x79: {  	_ =	shalt  }
0x7a: {  	_ =	shalt  }
0x7b: {  	_ =	shalt  }
0x7c: {  	_ =	shalt  }
0x7d: {  	_ =	shalt  }
0x7e: {  	_ =	shalt  }
0x7f: {  	_ =	shalt  }
0x80: {  	_ =	shalt  }
0x81: {  	_ =	shalt  }
0x82: {  	_ =	shalt  }
0x83: {  	_ =	shalt  }
0x84: {  	_ =	shalt  }
0x85: {  	_ =	shalt  }
0x86: {  	_ =	shalt  }
0x87: {  	_ =	shalt  }
.Lfunc_end0:
.L_simem_size_0:
called_computation.1_lowered:
.L_overlay_start_0:
0x88: {  	s2 =	sld [smem:$0x3FD9]  }
0x89: {  	s3 =	sld [smem:$0x3FFE];
	_ =	sdelay $0x1  }
0x8a: {  	s1 =	srdreg.scid  }
0x8b: {  	s0 =	sand.u32 $0x1, s1  }
0x8c: {  	s16 =	sshll.u32 s0, $0xA;
	s2 =	sadd.s32 s3, s2  }
0x8d: {  	s2 =	sadd.s32 s2, s16  }
0x8e: {  	[smem:$0x3FB0] =	sst s2  }
0x8f: {  	_ = 	snop  }
0x90: {  	(tm) =	ssettm $0x1  }
0x91: {  	s17 =	sld [smem:$0x3FFB];
	_ =	sdelay $0x3  }
0x92: {  	_ =	strace s17  }
0x93: {  	s2 =	sld [smem:$0x3FFC];
	_ =	sdelay $0x3  }
0x94: {  	_ =	strace s2  }
0x95: {  	s2 =	sld [smem:$0x3FFD];
	_ =	sdelay $0x3  }
0x96: {  	_ =	strace s2  }
0x97: {  	_ =	strace $0x8FFFFFFF  }
0x98: {  	s18 =	sld [smem:$0x3FDB];
	_ =	sdelay $0x1  }
0x99: {  	s19 =	simm.s32 $_scs_section_size  }
0x9a: {  	s4 =	simm.s32 $_size__tile_overlayer_lowered;
	s5 =	simm.s32 $_tile_overlayer_lowered  }
0x9b: {  	s22 =	simm.s32 $0x1BFF;
	s21 =	sshll.u32 s5, $0x1;
	s2 =	sadd.s32 s19, s18  }
0x9c: {  	s6 =	simm.s32 $0x0;
	s20 =	sshll.u32 s4, $0x1;
	s4 =	sadd.s32 s21, s2  }
0x9d: {  	[timem:s6], [sflag:s22] =	dma.local [hbm:s4], s20  }
0x9e: {  	_ =	swait.ge [sflag:s22], s20  }
0x9f: {  	s3 =	ssub.s32 $0x0, s20;
	[sflag:s22] =	ssyncset.done $0x0  }
0xa0: {  	[sflag:s22] =	ssyncadd.s32 s3;
	_ =	sdelay $0x1  }
0xa1: {  	s23 =	simm.s32 $0x1B8B  }
0xa2: {  	_ =	swait.ge [sflag:s23], $0x1  }
0xa3: {  	[sflag:s23] =	ssyncset.done $0x0  }
0xa4: {  	s25 =	simm.s32 $0x1B8E;
	s24 =	sld [smem:$0x3FFE];
	[sflag:s23] =	ssyncadd.s32 $0xFFFFFFFF  }
0xa5: {  	s26 =	simm.s32 $execute0_lowered;
	[smem:$0x3FD2] =	sst s25  }
0xa6: {  	s4 =	sshll.u32 s26, $0x1;
	_ =	strace $0x80000046;
	[dreg:$0x1] =	wrdreg $0xFFFFFFFF  }
0xa7: {  	s28 =	simm.s32 $_size_execute0_lowered;
	s2 =	sadd.s32 s2, s4;
	[dreg:$0x0] =	wrdreg $0x0  }
0xa8: {  	s4 =	sshll.u32 s28, $0x1;
	[dreg:$0x2] =	wrdreg s2  }
0xa9: {  	[dreg:$0x3] =	wrdreg s4  }
0xaa: {  	[dreg:$0x4] =	wrdreg $0xC0  }
0xab: {  	_ =	task [dreg:s6], $0x5FFFF  }
0xac: {  	[dreg:$0x1] =	wrdreg $0xFFFFFFFF  }
0xad: {  	[dreg:$0x0] =	wrdreg $0x60  }
0xae: {  	[dreg:$0x2] =	wrdreg s24  }
0xaf: {  	[dreg:$0x3] =	wrdreg $0x0  }
0xb0: {  	[dreg:$0x4] =	wrdreg $0xA  }
0xb1: {  	_ =	task.clear_ibuf [dreg:s6], $0x5FFFF;
	_ =	strace $0x90000046  }
0xb2: {  	s29 =	simm.s32 $0xA;
	_ =	strace $0x80000048  }
0xb3: {  	_ =	swait.ge [sflag:s29], $0x1  }
0xb4: {  	[sflag:s29] =	ssyncadd.s32 $0xFFFFFFFF  }
0xb5: {  	_ =	strace $0x90000048  }
0xb6: {  	_ =	sfence  }
0xb7: {  	s30 =	sld [smem:$0x0];
	_ =	sdelay $0x2  }
0xb8: {  	s31 =	sshll.u32 s1, $0xD;
	s1 =	sshrl.u32 s1, $0x2  }
0xb9: {  	s3 =	sand.u32 $0x4000, s31;
	s1 =	sadd.s32 s1, s30  }
0xba: {  	s0 =	sor.u32 s3, s0;
	s1 =	sshll.u32 s1, $0x11  }
0xbb: {  	s0 =	sor.u32 s1, s0  }
0xbc: {  	s0 =	sadd.s32 $0x8F2B, s0  }
0xbd: {  	[sflag:s0] =	ssyncadd.remote.s32 $0x1  }
0xbe: {  	_ =	sfence.sel $0xFFFF  }
0xbf: {  	[dreg:$0x0] =	wrdreg $0xFFFFFFFF;
	(pc) =	sbr.abs _section_cstart, $3  }
0xc0: {  	[dreg:$0x1] =	wrdreg $0xFFFFFFFF  }
0xc1: {  	_ =	task.clear_ibuf [dreg:s6], $0x2FFFF;
	_ =	strace $0x9FFFFFFF  }
0xc2: {  	(tm) =	ssettm $0x7FFFFFFF  }
0xc3: {  	_ =	shalt  }
tec
execute0_lowered:
.L_overlay_start_1:
0x0: {  	(tag) =	ssettag $0x1  }
0x1: {  	s6 =	rddreg [dreg:$0x0];
	s0 =	stileid.u32  }
0x2: {  	s1 =	srdreg.scid;
	s2 =	rddreg [dreg:$0x1]  }
0x3: {  	s3 =	simm.s32 $0x0;
	s12 =	simm.s32 $0x2;
	s13 =	simm.s32 $0x18800  }
0x4: {  	s14 =	simm.s32 $0x18850;
	s15 =	simm.s32 $0x50;
	s16 =	simm.s32 $0x188F0  }
0x5: {  	s17 =	simm.s32 $0x1;
	s18 =	simm.s32 $0x188A0;
	s5 =	smul.u32 $0x186A, s0  }
0x6: {  	s7 =	sand.u32 $0x1, s1;
	s1 =	rddreg [dreg:$0x2];
	s8 =	smul.u32 $0x620, s0  }
0x7: {  	[smem:$0x7FF] =	sst s3;
	s4 =	sadd.s32 $0x34000, s6;
	s9 =	smul.u32 $0x62000, s0  }
0x8: {  	s31 =	sshll.u32 s0, $0x6;
	p0 =	seq.s32 s0, $0xF;
	s19 =	smul.u32 $0x61A8, s7  }
0x9: {  	_ =	strace $0x80000047;
	s7 =	ssub.s32 $0x2, s7;
	s10 =	sadd.s32 s5, s6  }
0xa: {  	s5 =	sadd.s32 $0x95C00, s6;
	s30 =	sshrl.u32 s7, $0x1;
	s9 =	sshrl.u32 s9, $0x2  }
0xb: {  	s8 =	sadd.s32 s8, s19;
	s11 =	ssub.s32 s7, s30;
	s20 =	sadd.s32 s9, s2  }
0xc: {  	s21 =	sadd.s32 $0x61A8, s19;
	s9 =	sadd.s32 $0x3000, s10;
	s8 =	sshll.u32 s8, $0x3  }
0xd: {  	s10 =	sadd.s32 $0x1B800, s10;
	v0 =	vmov s19;
	s19 =	sshrl.u32 @p0 s20, $0x3;
	s8 =	sadd.s32 s8, s6  }
0xe: {  	v2 =	vlaneseq.u32;
	v1 =	vmov s21;
	s21 =	simm.s32 $0x0;
	s6 =	sor.u32 $0x1C02, s31;
	s7 =	sadd.s32 $0x98E00, s8  }
0xf: {  	v2 =	vor.u32 $0x61A8, v2;
	s8 =	smax.u32 s11, $0x1;
	s11 =	sshrl.u32 s20, $0x3;
	s20 =	sshrl.u32 @!p0 s20, $0x3  }
.LBB2_1:
0x10: {  	[spmem:s11], [sflag:s6] =	dma.local [hbm:s5], $0x3100  }
0x11: {  	_ =	swait.ge [sflag:s12], $0x3100  }
0x12: {  	[sflag:s12] =	ssyncset.done $0x0  }
0x13: {  	[sflag:s12] =	ssyncadd.s32 $0xFFFFCF00  }
0x14: {  	s22 =	sadd.s32 $0x0, s10;
	[bflag:$0x0] =	sbarrier.arrive $0xFFFF  }
0x15: {  	[tilespmem:s13], [sflag:$0x2] =	stream.linear.gather [hbm4b:s22+s3], $0x50, $0x38;
	[tilespmem:$0x19CF0] =	vst v63  }
0x16: {  	_ =	swait.ge [sflag:s12], $0x50  }
0x17: {  	[sflag:s12] =	ssyncset.done $0x0  }
0x18: {  	s31 =	sadd.s32 $0x0, s9;
	[sflag:s12] =	ssyncadd.s32 $0xFFFFFFB0  }
0x19: {  	[tilespmem:s14], [sflag:$0x2] =	stream.linear.gather [hbm4b:s31+s3], $0x50, $0x38;
	[tilespmem:$0x19CF0] =	vst v63  }
0x1a: {  	_ =	swait.ge [sflag:s12], $0x50  }
0x1b: {  	[sflag:s12] =	ssyncset.done $0x0  }
0x1c: {  	[sflag:s12] =	ssyncadd.s32 $0xFFFFFFB0  }
0x1d: {  	v3 =	vld [tilespmem:$0x18890]  }
0x1e: {  	v4 =	vld [tilespmem:$0x18880]  }
0x1f: {  	v5 =	vld [tilespmem:$0x18860]  }
0x20: {  	v6 =	vld [tilespmem:$0x18850];
	_ =	sdelay $0x1  }
0x21: {  	v7 =	vld [tilespmem:$0x18870]  }
0x22: {  	vm0 =	vge.s32 v3, v0;
	vm1 =	vge.s32 v4, v0;
	vm2 =	vlt.s32 v4, v1  }
0x23: {  	vm3 =	vlt.s32 v3, v1;
	vm4 =	vlt.s32 v5, v1;
	v4 =	vsub.s32 v4, v0  }
0x24: {  	v8 =	vsub.s32 v6, v0;
	vm9 =	vge.s32 v5, v0;
	v5 =	vsub.s32 v5, v0  }
0x25: {  	vm10 =	vlt.s32 v6, v1;
	vm1 =	vmand vm1, vm2;
	vm2 =	vmand vm9, vm4  }
0x26: {  	vm11 =	vge.s32 v6, v0;
	vm13 =	vge.s32 v7, v0;
	v5 =	vsel vm2, v5, v2  }
0x27: {  	vm14 =	vlt.s32 v7, v1;
	vm12 =	vmand vm11, vm10;
	v4 =	vsel vm1, v4, v2;
	[tilespmem:$0x188B0] =	vst v5  }
0x28: {  	v61 =	vsub.s32 v7, v0;
	vm15 =	vmand vm13, vm14;
	v62 =	vsel vm12, v8, v2;
	[tilespmem:$0x188D0] =	vst v4  }
0x29: {  	v3 =	vsub.s32 v3, v0;
	vm0 =	vmand vm0, vm3;
	v63 =	vsel vm15, v61, v2;
	[tilespmem:$0x188A0] =	vst v62  }
0x2a: {  	v3 =	vsel vm0, v3, v2;
	[tilespmem:$0x188C0] =	vst v63  }
0x2b: {  	s22 =	simm.s32 $0xA;
	[tilespmem:$0x188E0] =	vst v3  }
.LBB2_2:
0x2c: {  	[tilespmem:s16], [sflag:$0x1] =	stream.indirect.gather [hbm4b:s4+s15], $0x40, s13, s15, $0xb8;
	[tilespmem:$0x19CF0] =	vst v63  }
0x2d: {  	s23 =	smov.u32 s22  }
0x2e: {  	p1 =	sne.s32 s22, $0x1860;
	s22 =	sadd.s32 $0xA, s22;
	_ =	swait.ge [sflag:s17], $0x1400  }
0x2f: {  	[sflag:s17] =	ssyncset.done $0x0  }
0x30: {  	[sflag:s17] =	ssyncadd.s32 $0xFFFFEC00  }
0x31: {  	[spmem:s2] =	stream.indirect.scatter.add.f32 [tilespmem:s16], [sflag:$0x2], $0x40, s18, s15, $0xb8;
	[tilespmem:$0x19CF0] =	vst v63  }
0x32: {  	_ =	swait.ge [sflag:s12], $0x1400  }
0x33: {  	[sflag:s12] =	ssyncset.done $0x0  }
0x34: {  	s24 =	sadd.s32 s23, s10;
	[sflag:s12] =	ssyncadd.s32 $0xFFFFEC00  }
0x35: {  	[tilespmem:s13], [sflag:$0x2] =	stream.linear.gather [hbm4b:s24+s3], $0x50, $0x38;
	[tilespmem:$0x19CF0] =	vst v63  }
0x36: {  	_ =	swait.ge [sflag:s12], $0x50  }
0x37: {  	[sflag:s12] =	ssyncset.done $0x0  }
0x38: {  	s23 =	sadd.s32 s23, s9;
	[sflag:s12] =	ssyncadd.s32 $0xFFFFFFB0  }
0x39: {  	[tilespmem:s14], [sflag:$0x2] =	stream.linear.gather [hbm4b:s23+s3], $0x50, $0x38;
	[tilespmem:$0x19CF0] =	vst v63  }
0x3a: {  	_ =	swait.ge [sflag:s12], $0x50  }
0x3b: {  	[sflag:s12] =	ssyncset.done $0x0  }
0x3c: {  	[sflag:s12] =	ssyncadd.s32 $0xFFFFFFB0  }
0x3d: {  	v3 =	vld [tilespmem:$0x18890]  }
0x3e: {  	v4 =	vld [tilespmem:$0x18880]  }
0x3f: {  	v5 =	vld [tilespmem:$0x18860]  }
0x40: {  	v6 =	vld [tilespmem:$0x18850]  }
0x41: {  	v7 =	vld [tilespmem:$0x18870]  }
0x42: {  	vm0 =	vge.s32 v3, v0;
	vm1 =	vlt.s32 v3, v1;
	v3 =	vsub.s32 v3, v0  }
0x43: {  	vm2 =	vge.s32 v4, v0;
	vm3 =	vlt.s32 v4, v1;
	vm0 =	vmand vm0, vm1  }
0x44: {  	v4 =	vsub.s32 v4, v0;
	vm1 =	vlt.s32 v5, v1;
	vm2 =	vmand vm2, vm3  }
0x45: {  	vm3 =	vge.s32 v5, v0;
	v5 =	vsub.s32 v5, v0;
	v8 =	vsub.s32 v6, v0  }
0x46: {  	vm4 =	vlt.s32 v6, v1;
	vm1 =	vmand vm3, vm1;
	v9 =	vsub.s32 v7, v0  }
0x47: {  	vm3 =	vge.s32 v6, v0;
	v4 =	vsel vm2, v4, v2;
	v5 =	vsel vm1, v5, v2  }
.Ltmp0:
0x48: {  	vm1 =	vmand vm3, vm4;
	vm2 =	vge.s32 v7, v0;
	vm3 =	vlt.s32 v7, v1;
	[tilespmem:$0x188B0] =	vst v5;
	(pc) =	sbr.rel @p1 .LBB2_2-.Ltmp0, $4  }
0x49: {  	v3 =	vsel vm0, v3, v2;
	v5 =	vsel vm1, v8, v2;
	vm1 =	vmand vm2, vm3;
	[tilespmem:$0x188D0] =	vst v4  }
0x4a: {  	v4 =	vsel vm1, v9, v2;
	[tilespmem:$0x188A0] =	vst v5  }
0x4b: {  	[tilespmem:$0x188C0] =	vst v4  }
0x4c: {  	[tilespmem:$0x188E0] =	vst v3  }
0x4d: {  	[tilespmem:s16], [sflag:$0x1] =	stream.indirect.gather [hbm4b:s4+s15], $0x40, s13, s15, $0xb8;
	[tilespmem:$0x19CF0] =	vst v63  }
0x4e: {  	_ =	swait.ge [sflag:s17], $0x1400  }
0x4f: {  	[sflag:s17] =	ssyncset.done $0x0  }
0x50: {  	[sflag:s17] =	ssyncadd.s32 $0xFFFFEC00  }
0x51: {  	[spmem:s2] =	stream.indirect.scatter.add.f32 [tilespmem:s16], [sflag:$0x2], $0x40, s18, s15, $0xb8;
	[tilespmem:$0x19CF0] =	vst v63  }
0x52: {  	_ =	swait.ge [sflag:s12], $0x1400  }
0x53: {  	[sflag:s12] =	ssyncset.done $0x0  }
0x54: {  	[sflag:s12] =	ssyncadd.s32 $0xFFFFEC00  }
0x55: {  	s22 =	simm.s32 @p0 $0x2;
	[bflag:$0x0] =	sbarrier.arrive $0xFFFF  }
0x56: {  	[hbm:s7], [sflag:s6] =	dma.local @p0 [spmem:s19], $0x2E40  }
0x57: {  	s21 =	sadd.s32 $0x1, s21;
	_ =	swait.ge @p0 [sflag:s22], $0x2E40  }
0x58: {  	p1 =	sne.s32 s21, s8;
	[sflag:s22] =	ssyncset.done @p0 $0x0  }
.Ltmp1:
0x59: {  	[sflag:s22] =	ssyncadd.s32 @p0 $0xFFFFD1C0;
	s22 =	simm.s32 @!p0 $0x2;
	(pc) =	sbr.rel @p1 .LBB2_1-.Ltmp1, $4  }
0x5a: {  	[hbm:s7], [sflag:s6] =	dma.local @!p0 [spmem:s20], $0x3100  }
0x5b: {  	_ =	swait.ge @!p0 [sflag:s22], $0x3100  }
0x5c: {  	[sflag:s22] =	ssyncset.done @!p0 $0x0  }
0x5d: {  	[sflag:s22] =	ssyncadd.s32 @!p0 $0xFFFFCF00  }
0x5e: {  	_ =	sfence.sel $0x180000  }
0x5f: {  	[bflag:$0x0] =	sbarrier.arrive $0xFFFF  }
0x60: {  	p0 =	sne.s32 s0, $0x0;
	_ =	strace $0x90000047  }
0x61: {  	s0 =	sadd.s32 @!p0 $0x100000, s1;
	[bflag:$0x2] =	sbarrier.arrive $0xFFFF  }
0x62: {  	[sflag:s0] =	ssyncadd.tile.s32 @!p0 $0x1;
	_ =	shalt  }
.Lfunc_end2:
_tile_overlayer_lowered:
.L_overlay_start_2:
0x63: {  	(tag) =	ssettag $0x2  }
0x64: {  	s0 =	rddreg [dreg:$0x0];
	s2 =	stileid.u32  }
0x65: {  	s1 =	rddreg [dreg:$0x1];
	p0 =	sne.s32 s2, $0x0  }
0x66: {  	s3 =	rddreg [dreg:$0x2];
	[bflag:$0x3] =	sbarrier.arrive $0xFFFF;
	s2 =	simm.s32 @!p0 $0x1C02  }
0x67: {  	[timem:s3], [sflag:s2] =	dma.local @!p0 [hbm:s0], s1  }
0x68: {  	s0 =	simm.s32 @!p0 $0x2  }
0x69: {  	_ =	swait.ge @!p0 [sflag:s0], s1  }
0x6a: {  	s1 =	ssub.s32 @!p0 $0x0, s1;
	[sflag:s0] =	ssyncset.done @!p0 $0x0  }
0x6b: {  	[sflag:s0] =	ssyncadd.s32 @!p0 s1  }
0x6c: {  	[bflag:$0x3] =	sbarrier.arrive $0xFFFF  }
0x6d: {  	_ =	shalt  }

// kernel: kernel.14.cloned.1.call-start
scs
__scs_entry_jumppad:
0x0: {  	(pc) =	sbr.rel $0x88, $3  }
0x1: {  	(tag) =	ssettag $0x0;
	lr =	simm.s32 $0x1  }
0x2: {  	[smem:$0x3F89] =	sst lr;
	_ =	strace $0xD0000000  }
0x3: {  	_ = 	snop  }
0x4: {  	_ = 	snop  }
0x5: {  	_ = 	snop  }
0x6: {  	_ = 	snop  }
0x7: {  	_ = 	snop  }
__scs_overlays_trampoline_lowered:
0x8: {  	[smem:$0x3F98] =	sst s0  }
0x9: {  	[smem:$0x3F99] =	sst s1  }
0xa: {  	[smem:$0x3F9A] =	sst s2  }
0xb: {  	[smem:$0x3F9B] =	sst s3  }
0xc: {  	[smem:$0x3F9C] =	sst s4  }
0xd: {  	[smem:$0x3F9D] =	sst s5  }
0xe: {  	[smem:$0x3F9E] =	sst s6  }
0xf: {  	[smem:$0x3F9F] =	sst s7  }
0x10: {  	[smem:$0x3FA0] =	sst s8  }
0x11: {  	[smem:$0x3FA1] =	sst s9;
	s0 =	simm.s32 @!p0 $0x0  }
0x12: {  	s1 =	sld [smem:$0x3F87];
	s0 =	simm.s32 @p0 $0x1  }
0x13: {  	[smem:$0x3FA2] =	sst s0;
	s0 =	simm.s32 @!p1 $0x0  }
0x14: {  	s2 =	sld [smem:$0x3F86];
	s0 =	simm.s32 @p1 $0x1  }
0x15: {  	[smem:$0x3FA3] =	sst s0;
	s0 =	simm.s32 @!p2 $0x0  }
0x16: {  	s3 =	sld [smem:$0x3FDB];
	s0 =	simm.s32 @p2 $0x1  }
0x17: {  	s4 =	simm.s32 $0x1BF5;
	[smem:$0x3FA5] =	sst s0  }
0x18: {  	s0 =	sld [smem:$0x3F88];
	_ =	swait.ge [sflag:s4], $0x0  }
0x19: {  	s7 =	sld [smem:$0x3F89]  }
0x1a: {  	s8 =	sadd.s32 $0xFFFFE003, lr  }
0x1b: {  	s9 =	sadd.s32 $0xFFFFFEF7, lr;
	s5 =	simm.s32 $0xFFFFFFFF;
	p2 =	slt.u32 s8, $0xFFFFF086  }
0x1c: {  	p1 =	slt.u32 s9, $0xF7A;
	s5 =	simm.s32 @!p2 $0x0  }
0x1d: {  	s5 =	simm.s32 @p1 $0x1;
	p0 =	seq.s32 s7, s2  }
0x1e: {  	s7 =	smul.u32 @!p0 $0xF7A, s2;
	p2 =	seq.s32 @!p0 s5, $0x0  }
0x1f: {  	s9 =	smul.u32 $0xF7A, s1;
	s8 =	simm.s32 @!p0 $0x1BF5;
	p2 =	por !p2, p0  }
0x20: {  	[sflag:s8] =	ssyncset.s32 @!p0 $0xFFFFF086;
	s6 =	sadd.s32 @!p0 s3, s7;
	s7 =	simm.s32 @!p0 $0x108  }
0x21: {  	s3 =	sadd.s32 s3, s9;
	s6 =	sadd.s32 @!p0 $0x88, s6;
	s7 =	simm.s32 @p2 $0x1082  }
0x22: {  	[simem:s7], [sflag:s8] =	dma.local @!p0 [hbm:s6], $0xF7A  }
0x23: {  	s9 =	sor.u32 $0xD0000000, s2;
	s6 =	simm.s32 $0x108;
	_ =	swait.ge @!p0 [sflag:s8], $0x0  }
0x24: {  	s3 =	sadd.s32 $0x88, s3;
	s6 =	simm.s32 @!p1 $0x1082;
	[sflag:s4] =	ssyncset.s32 $0xFFFFF086  }
0x25: {  	[simem:s6], [sflag:s4] =	dma.local [hbm:s3], $0xF7A  }
0x26: {  	[smem:$0x3F89] =	sst s1;
	(tag) =	ssettag s2;
	_ =	strace s9  }
0x27: {  	s1 =	sld [smem:$0x3F99]  }
0x28: {  	s2 =	sld [smem:$0x3F9A]  }
0x29: {  	s4 =	sld [smem:$0x3F9C]  }
0x2a: {  	p0 =	seq.s32 s5, $0x0;
	s5 =	sld [smem:$0x3F9D]  }
0x2b: {  	s6 =	sld [smem:$0x3F9E]  }
0x2c: {  	s7 =	sld [smem:$0x3F9F]  }
0x2d: {  	s3 =	simm.s32 $0x108;
	s8 =	sld [smem:$0x3FA0]  }
0x2e: {  	s3 =	simm.s32 @!p0 $0x1082;
	s9 =	sld [smem:$0x3FA1]  }
0x2f: {  	lr =	sadd.s32 s0, s3;
	s0 =	sld [smem:$0x3F98]  }
0x30: {  	s3 =	sld [smem:$0x3F9B]  }
0x31: {  	[smem:$0x3FA4] =	sst s10  }
0x32: {  	s10 =	sld [smem:$0x3FA2];
	_ =	sdelay $0x3  }
0x33: {  	p0 =	seq.s32 s10, $0x1;
	s10 =	sld [smem:$0x3FA4];
	_ =	sdelay $0x3  }
0x34: {  	[smem:$0x3FA4] =	sst s10  }
0x35: {  	s10 =	sld [smem:$0x3FA3];
	_ =	sdelay $0x3  }
0x36: {  	p1 =	seq.s32 s10, $0x1;
	s10 =	sld [smem:$0x3FA4];
	_ =	sdelay $0x3  }
0x37: {  	[smem:$0x3FA4] =	sst s10  }
0x38: {  	s10 =	sld [smem:$0x3FA5]  }
0x39: {  	_ = 	snop;
	(pc) =	sbr.ind lr, $3  }
0x3a: {  	_ = 	snop  }
0x3b: {  	_ = 	snop  }
0x3c: {  	p2 =	seq.s32 s10, $0x1;
	s10 =	sld [smem:$0x3FA4]  }
0x3d: {  	_ =	shalt  }
0x3e: {  	_ =	shalt  }
0x3f: {  	_ =	shalt  }
0x40: {  	_ =	shalt  }
0x41: {  	_ =	shalt  }
0x42: {  	_ =	shalt  }
0x43: {  	_ =	shalt  }
0x44: {  	_ =	shalt  }
0x45: {  	_ =	shalt  }
0x46: {  	_ =	shalt  }
0x47: {  	_ =	shalt  }
0x48: {  	_ =	shalt  }
0x49: {  	_ =	shalt  }
0x4a: {  	_ =	shalt  }
0x4b: {  	_ =	shalt  }
0x4c: {  	_ =	shalt  }
0x4d: {  	_ =	shalt  }
0x4e: {  	_ =	shalt  }
0x4f: {  	_ =	shalt  }
0x50: {  	_ =	shalt  }
0x51: {  	_ =	shalt  }
0x52: {  	_ =	shalt  }
0x53: {  	_ =	shalt  }
0x54: {  	_ =	shalt  }
0x55: {  	_ =	shalt  }
0x56: {  	_ =	shalt  }
0x57: {  	_ =	shalt  }
0x58: {  	_ =	shalt  }
0x59: {  	_ =	shalt  }
0x5a: {  	_ =	shalt  }
0x5b: {  	_ =	shalt  }
0x5c: {  	_ =	shalt  }
0x5d: {  	_ =	shalt  }
0x5e: {  	_ =	shalt  }
0x5f: {  	_ =	shalt  }
0x60: {  	_ =	shalt  }
0x61: {  	_ =	shalt  }
0x62: {  	_ =	shalt  }
0x63: {  	_ =	shalt  }
0x64: {  	_ =	shalt  }
0x65: {  	_ =	shalt  }
0x66: {  	_ =	shalt  }
0x67: {  	_ =	shalt  }
0x68: {  	_ =	shalt  }
0x69: {  	_ =	shalt  }
0x6a: {  	_ =	shalt  }
0x6b: {  	_ =	shalt  }
0x6c: {  	_ =	shalt  }
0x6d: {  	_ =	shalt  }
0x6e: {  	_ =	shalt  }
0x6f: {  	_ =	shalt  }
0x70: {  	_ =	shalt  }
0x71: {  	_ =	shalt  }
0x72: {  	_ =	shalt  }
0x73: {  	_ =	shalt  }
0x74: {  	_ =	shalt  }
0x75: {  	_ =	shalt  }
0x76: {  	_ =	shalt  }
0x77: {  	_ =	shalt  }
0x78: {  	_ =	shalt  }
0x79: {  	_ =	shalt  }
0x7a: {  	_ =	shalt  }
0x7b: {  	_ =	shalt  }
0x7c: {  	_ =	shalt  }
0x7d: {  	_ =	shalt  }
0x7e: {  	_ =	shalt  }
0x7f: {  	_ =	shalt  }
0x80: {  	_ =	shalt  }
0x81: {  	_ =	shalt  }
0x82: {  	_ =	shalt  }
0x83: {  	_ =	shalt  }
0x84: {  	_ =	shalt  }
0x85: {  	_ =	shalt  }
0x86: {  	_ =	shalt  }
0x87: {  	_ =	shalt  }
.Lfunc_end0:
.L_simem_size_0:
called_computation.2_lowered:
.L_overlay_start_0:
0x88: {  	s2 =	sld [smem:$0x3FD9]  }
0x89: {  	s3 =	sld [smem:$0x3FFE];
	_ =	sdelay $0x1  }
0x8a: {  	s1 =	srdreg.scid  }
0x8b: {  	s0 =	sand.u32 $0x1, s1  }
0x8c: {  	s16 =	sshll.u32 s0, $0xA;
	s2 =	sadd.s32 s3, s2  }
0x8d: {  	s2 =	sadd.s32 s2, s16  }
0x8e: {  	[smem:$0x3FB0] =	sst s2  }
0x8f: {  	_ = 	snop  }
0x90: {  	(tm) =	ssettm $0x1  }
0x91: {  	s17 =	sld [smem:$0x3FFB];
	_ =	sdelay $0x3  }
0x92: {  	_ =	strace s17  }
0x93: {  	s2 =	sld [smem:$0x3FFC];
	_ =	sdelay $0x3  }
0x94: {  	_ =	strace s2  }
0x95: {  	s2 =	sld [smem:$0x3FFD];
	_ =	sdelay $0x3  }
0x96: {  	_ =	strace s2  }
0x97: {  	_ =	strace $0x8FFFFFFF  }
0x98: {  	s18 =	sld [smem:$0x3FDB];
	_ =	sdelay $0x1  }
0x99: {  	s19 =	simm.s32 $_scs_section_size  }
0x9a: {  	s4 =	simm.s32 $_size__tile_overlayer_lowered;
	s5 =	simm.s32 $_tile_overlayer_lowered  }
0x9b: {  	s22 =	simm.s32 $0x1BFF;
	s21 =	sshll.u32 s5, $0x1;
	s2 =	sadd.s32 s19, s18  }
0x9c: {  	s6 =	simm.s32 $0x0;
	s20 =	sshll.u32 s4, $0x1;
	s4 =	sadd.s32 s21, s2  }
0x9d: {  	[timem:s6], [sflag:s22] =	dma.local [hbm:s4], s20  }
0x9e: {  	_ =	swait.ge [sflag:s22], s20  }
0x9f: {  	s3 =	ssub.s32 $0x0, s20;
	[sflag:s22] =	ssyncset.done $0x0  }
0xa0: {  	[sflag:s22] =	ssyncadd.s32 s3;
	_ =	sdelay $0x1  }
0xa1: {  	s23 =	simm.s32 $0x1B8B  }
0xa2: {  	_ =	swait.ge [sflag:s23], $0x1  }
0xa3: {  	[sflag:s23] =	ssyncset.done $0x0  }
0xa4: {  	s25 =	simm.s32 $0x1B8E;
	s24 =	sld [smem:$0x3FFE];
	[sflag:s23] =	ssyncadd.s32 $0xFFFFFFFF  }
0xa5: {  	s26 =	simm.s32 $execute0_lowered;
	[smem:$0x3FD2] =	sst s25  }
0xa6: {  	s4 =	sshll.u32 s26, $0x1;
	_ =	strace $0x8000004C;
	[dreg:$0x1] =	wrdreg $0xFFFFFFFF  }
0xa7: {  	s28 =	simm.s32 $_size_execute0_lowered;
	s2 =	sadd.s32 s2, s4;
	[dreg:$0x0] =	wrdreg $0x0  }
0xa8: {  	s4 =	sshll.u32 s28, $0x1;
	[dreg:$0x2] =	wrdreg s2  }
0xa9: {  	[dreg:$0x3] =	wrdreg s4  }
0xaa: {  	[dreg:$0x4] =	wrdreg $0xC0  }
0xab: {  	_ =	task [dreg:s6], $0x5FFFF  }
0xac: {  	[dreg:$0x1] =	wrdreg $0xFFFFFFFF  }
0xad: {  	[dreg:$0x0] =	wrdreg $0x60  }
0xae: {  	[dreg:$0x2] =	wrdreg s24  }
0xaf: {  	[dreg:$0x3] =	wrdreg $0x0  }
0xb0: {  	[dreg:$0x4] =	wrdreg $0x9  }
0xb1: {  	_ =	task.clear_ibuf [dreg:s6], $0x5FFFF;
	_ =	strace $0x9000004C  }
0xb2: {  	s29 =	simm.s32 $0x9;
	_ =	strace $0x8000004E  }
0xb3: {  	_ =	swait.ge [sflag:s29], $0x1  }
0xb4: {  	[sflag:s29] =	ssyncadd.s32 $0xFFFFFFFF  }
0xb5: {  	_ =	strace $0x9000004E  }
0xb6: {  	_ =	sfence  }
0xb7: {  	s30 =	sld [smem:$0x0];
	_ =	sdelay $0x2  }
0xb8: {  	s31 =	sshll.u32 s1, $0xD;
	s1 =	sshrl.u32 s1, $0x2  }
0xb9: {  	s3 =	sand.u32 $0x4000, s31;
	s1 =	sadd.s32 s1, s30  }
0xba: {  	s0 =	sor.u32 s3, s0;
	s1 =	sshll.u32 s1, $0x11  }
0xbb: {  	s0 =	sor.u32 s1, s0  }
0xbc: {  	s0 =	sadd.s32 $0x8F2B, s0  }
0xbd: {  	[sflag:s0] =	ssyncadd.remote.s32 $0x1  }
0xbe: {  	_ =	sfence.sel $0xFFFF  }
0xbf: {  	[dreg:$0x0] =	wrdreg $0xFFFFFFFF;
	(pc) =	sbr.abs _section_cstart, $3  }
0xc0: {  	[dreg:$0x1] =	wrdreg $0xFFFFFFFF  }
0xc1: {  	_ =	task.clear_ibuf [dreg:s6], $0x2FFFF;
	_ =	strace $0x9FFFFFFF  }
0xc2: {  	(tm) =	ssettm $0x7FFFFFFF  }
0xc3: {  	_ =	shalt  }
tec
execute0_lowered:
.L_overlay_start_1:
0x0: {  	(tag) =	ssettag $0x1  }
0x1: {  	s6 =	rddreg [dreg:$0x0];
	s0 =	stileid.u32  }
0x2: {  	s1 =	srdreg.scid;
	s2 =	rddreg [dreg:$0x1]  }
0x3: {  	s3 =	simm.s32 $0x0;
	s12 =	simm.s32 $0x2;
	s13 =	simm.s32 $0x18800  }
0x4: {  	s14 =	simm.s32 $0x18850;
	s15 =	simm.s32 $0x50;
	s16 =	simm.s32 $0x188F0  }
0x5: {  	s17 =	simm.s32 $0x1;
	s18 =	simm.s32 $0x188A0;
	s5 =	smul.u32 $0x186A, s0  }
0x6: {  	s7 =	sand.u32 $0x1, s1;
	s1 =	rddreg [dreg:$0x2];
	s8 =	smul.u32 $0x620, s0  }
0x7: {  	[smem:$0x7FF] =	sst s3;
	s4 =	sadd.s32 $0x34000, s6;
	s9 =	smul.u32 $0x62000, s0  }
0x8: {  	s31 =	sshll.u32 s0, $0x6;
	p0 =	seq.s32 s0, $0xF;
	s19 =	smul.u32 $0x61A8, s7  }
0x9: {  	_ =	strace $0x8000004D;
	s7 =	ssub.s32 $0x2, s7;
	s10 =	sadd.s32 s5, s6  }
0xa: {  	s5 =	sadd.s32 $0x95C00, s6;
	s30 =	sshrl.u32 s7, $0x1;
	s9 =	sshrl.u32 s9, $0x2  }
0xb: {  	s8 =	sadd.s32 s8, s19;
	s11 =	ssub.s32 s7, s30;
	s20 =	sadd.s32 s9, s2  }
0xc: {  	s21 =	sadd.s32 $0x61A8, s19;
	s9 =	sadd.s32 $0x3000, s10;
	s8 =	sshll.u32 s8, $0x3  }
0xd: {  	s10 =	sadd.s32 $0x1B800, s10;
	v0 =	vmov s19;
	s19 =	sshrl.u32 @p0 s20, $0x3;
	s8 =	sadd.s32 s8, s6  }
0xe: {  	v2 =	vlaneseq.u32;
	v1 =	vmov s21;
	s21 =	simm.s32 $0x0;
	s6 =	sor.u32 $0x1C02, s31;
	s7 =	sadd.s32 $0x98E00, s8  }
0xf: {  	v2 =	vor.u32 $0x61A8, v2;
	s8 =	smax.u32 s11, $0x1;
	s11 =	sshrl.u32 s20, $0x3;
	s20 =	sshrl.u32 @!p0 s20, $0x3  }
.LBB2_1:
0x10: {  	[spmem:s11], [sflag:s6] =	dma.local [hbm:s5], $0x3100  }
0x11: {  	_ =	swait.ge [sflag:s12], $0x3100  }
0x12: {  	[sflag:s12] =	ssyncset.done $0x0  }
0x13: {  	[sflag:s12] =	ssyncadd.s32 $0xFFFFCF00  }
0x14: {  	s22 =	sadd.s32 $0x0, s10;
	[bflag:$0x0] =	sbarrier.arrive $0xFFFF  }
0x15: {  	[tilespmem:s13], [sflag:$0x2] =	stream.linear.gather [hbm4b:s22+s3], $0x50, $0x38;
	[tilespmem:$0x19CF0] =	vst v63  }
0x16: {  	_ =	swait.ge [sflag:s12], $0x50  }
0x17: {  	[sflag:s12] =	ssyncset.done $0x0  }
0x18: {  	s31 =	sadd.s32 $0x0, s9;
	[sflag:s12] =	ssyncadd.s32 $0xFFFFFFB0  }
0x19: {  	[tilespmem:s14], [sflag:$0x2] =	stream.linear.gather [hbm4b:s31+s3], $0x50, $0x38;
	[tilespmem:$0x19CF0] =	vst v63  }
0x1a: {  	_ =	swait.ge [sflag:s12], $0x50  }
0x1b: {  	[sflag:s12] =	ssyncset.done $0x0  }
0x1c: {  	[sflag:s12] =	ssyncadd.s32 $0xFFFFFFB0  }
0x1d: {  	v3 =	vld [tilespmem:$0x18890]  }
0x1e: {  	v4 =	vld [tilespmem:$0x18880]  }
0x1f: {  	v5 =	vld [tilespmem:$0x18860]  }
0x20: {  	v6 =	vld [tilespmem:$0x18850];
	_ =	sdelay $0x1  }
0x21: {  	v7 =	vld [tilespmem:$0x18870]  }
0x22: {  	vm0 =	vge.s32 v3, v0;
	vm1 =	vge.s32 v4, v0;
	vm2 =	vlt.s32 v4, v1  }
0x23: {  	vm3 =	vlt.s32 v3, v1;
	vm4 =	vlt.s32 v5, v1;
	v4 =	vsub.s32 v4, v0  }
0x24: {  	v8 =	vsub.s32 v6, v0;
	vm9 =	vge.s32 v5, v0;
	v5 =	vsub.s32 v5, v0  }
0x25: {  	vm10 =	vlt.s32 v6, v1;
	vm1 =	vmand vm1, vm2;
	vm2 =	vmand vm9, vm4  }
0x26: {  	vm11 =	vge.s32 v6, v0;
	vm13 =	vge.s32 v7, v0;
	v5 =	vsel vm2, v5, v2  }
0x27: {  	vm14 =	vlt.s32 v7, v1;
	vm12 =	vmand vm11, vm10;
	v4 =	vsel vm1, v4, v2;
	[tilespmem:$0x188B0] =	vst v5  }
0x28: {  	v61 =	vsub.s32 v7, v0;
	vm15 =	vmand vm13, vm14;
	v62 =	vsel vm12, v8, v2;
	[tilespmem:$0x188D0] =	vst v4  }
0x29: {  	v3 =	vsub.s32 v3, v0;
	vm0 =	vmand vm0, vm3;
	v63 =	vsel vm15, v61, v2;
	[tilespmem:$0x188A0] =	vst v62  }
0x2a: {  	v3 =	vsel vm0, v3, v2;
	[tilespmem:$0x188C0] =	vst v63  }
0x2b: {  	s22 =	simm.s32 $0xA;
	[tilespmem:$0x188E0] =	vst v3  }
.LBB2_2:
0x2c: {  	[tilespmem:s16], [sflag:$0x1] =	stream.indirect.gather [hbm4b:s4+s15], $0x40, s13, s15, $0xb8;
	[tilespmem:$0x19CF0] =	vst v63  }
0x2d: {  	s23 =	smov.u32 s22  }
0x2e: {  	p1 =	sne.s32 s22, $0x1860;
	s22 =	sadd.s32 $0xA, s22;
	_ =	swait.ge [sflag:s17], $0x1400  }
0x2f: {  	[sflag:s17] =	ssyncset.done $0x0  }
0x30: {  	[sflag:s17] =	ssyncadd.s32 $0xFFFFEC00  }
0x31: {  	[spmem:s2] =	stream.indirect.scatter.add.f32 [tilespmem:s16], [sflag:$0x2], $0x40, s18, s15, $0xb8;
	[tilespmem:$0x19CF0] =	vst v63  }
0x32: {  	_ =	swait.ge [sflag:s12], $0x1400  }
0x33: {  	[sflag:s12] =	ssyncset.done $0x0  }
0x34: {  	s24 =	sadd.s32 s23, s10;
	[sflag:s12] =	ssyncadd.s32 $0xFFFFEC00  }
0x35: {  	[tilespmem:s13], [sflag:$0x2] =	stream.linear.gather [hbm4b:s24+s3], $0x50, $0x38;
	[tilespmem:$0x19CF0] =	vst v63  }
0x36: {  	_ =	swait.ge [sflag:s12], $0x50  }
0x37: {  	[sflag:s12] =	ssyncset.done $0x0  }
0x38: {  	s23 =	sadd.s32 s23, s9;
	[sflag:s12] =	ssyncadd.s32 $0xFFFFFFB0  }
0x39: {  	[tilespmem:s14], [sflag:$0x2] =	stream.linear.gather [hbm4b:s23+s3], $0x50, $0x38;
	[tilespmem:$0x19CF0] =	vst v63  }
0x3a: {  	_ =	swait.ge [sflag:s12], $0x50  }
0x3b: {  	[sflag:s12] =	ssyncset.done $0x0  }
0x3c: {  	[sflag:s12] =	ssyncadd.s32 $0xFFFFFFB0  }
0x3d: {  	v3 =	vld [tilespmem:$0x18890]  }
0x3e: {  	v4 =	vld [tilespmem:$0x18880]  }
0x3f: {  	v5 =	vld [tilespmem:$0x18860]  }
0x40: {  	v6 =	vld [tilespmem:$0x18850]  }
0x41: {  	v7 =	vld [tilespmem:$0x18870]  }
0x42: {  	vm0 =	vge.s32 v3, v0;
	vm1 =	vlt.s32 v3, v1;
	v3 =	vsub.s32 v3, v0  }
0x43: {  	vm2 =	vge.s32 v4, v0;
	vm3 =	vlt.s32 v4, v1;
	vm0 =	vmand vm0, vm1  }
0x44: {  	v4 =	vsub.s32 v4, v0;
	vm1 =	vlt.s32 v5, v1;
	vm2 =	vmand vm2, vm3  }
0x45: {  	vm3 =	vge.s32 v5, v0;
	v5 =	vsub.s32 v5, v0;
	v8 =	vsub.s32 v6, v0  }
0x46: {  	vm4 =	vlt.s32 v6, v1;
	vm1 =	vmand vm3, vm1;
	v9 =	vsub.s32 v7, v0  }
0x47: {  	vm3 =	vge.s32 v6, v0;
	v4 =	vsel vm2, v4, v2;
	v5 =	vsel vm1, v5, v2  }
.Ltmp0:
0x48: {  	vm1 =	vmand vm3, vm4;
	vm2 =	vge.s32 v7, v0;
	vm3 =	vlt.s32 v7, v1;
	[tilespmem:$0x188B0] =	vst v5;
	(pc) =	sbr.rel @p1 .LBB2_2-.Ltmp0, $4  }
0x49: {  	v3 =	vsel vm0, v3, v2;
	v5 =	vsel vm1, v8, v2;
	vm1 =	vmand vm2, vm3;
	[tilespmem:$0x188D0] =	vst v4  }
0x4a: {  	v4 =	vsel vm1, v9, v2;
	[tilespmem:$0x188A0] =	vst v5  }
0x4b: {  	[tilespmem:$0x188C0] =	vst v4  }
0x4c: {  	[tilespmem:$0x188E0] =	vst v3  }
0x4d: {  	[tilespmem:s16], [sflag:$0x1] =	stream.indirect.gather [hbm4b:s4+s15], $0x40, s13, s15, $0xb8;
	[tilespmem:$0x19CF0] =	vst v63  }
0x4e: {  	_ =	swait.ge [sflag:s17], $0x1400  }
0x4f: {  	[sflag:s17] =	ssyncset.done $0x0  }
0x50: {  	[sflag:s17] =	ssyncadd.s32 $0xFFFFEC00  }
0x51: {  	[spmem:s2] =	stream.indirect.scatter.add.f32 [tilespmem:s16], [sflag:$0x2], $0x40, s18, s15, $0xb8;
	[tilespmem:$0x19CF0] =	vst v63  }
0x52: {  	_ =	swait.ge [sflag:s12], $0x1400  }
0x53: {  	[sflag:s12] =	ssyncset.done $0x0  }
0x54: {  	[sflag:s12] =	ssyncadd.s32 $0xFFFFEC00  }
0x55: {  	s22 =	simm.s32 @p0 $0x2;
	[bflag:$0x0] =	sbarrier.arrive $0xFFFF  }
0x56: {  	[hbm:s7], [sflag:s6] =	dma.local @p0 [spmem:s19], $0x2E40  }
0x57: {  	s21 =	sadd.s32 $0x1, s21;
	_ =	swait.ge @p0 [sflag:s22], $0x2E40  }
0x58: {  	p1 =	sne.s32 s21, s8;
	[sflag:s22] =	ssyncset.done @p0 $0x0  }
.Ltmp1:
0x59: {  	[sflag:s22] =	ssyncadd.s32 @p0 $0xFFFFD1C0;
	s22 =	simm.s32 @!p0 $0x2;
	(pc) =	sbr.rel @p1 .LBB2_1-.Ltmp1, $4  }
0x5a: {  	[hbm:s7], [sflag:s6] =	dma.local @!p0 [spmem:s20], $0x3100  }
0x5b: {  	_ =	swait.ge @!p0 [sflag:s22], $0x3100  }
0x5c: {  	[sflag:s22] =	ssyncset.done @!p0 $0x0  }
0x5d: {  	[sflag:s22] =	ssyncadd.s32 @!p0 $0xFFFFCF00  }
0x5e: {  	_ =	sfence.sel $0x180000  }
0x5f: {  	[bflag:$0x0] =	sbarrier.arrive $0xFFFF  }
0x60: {  	p0 =	sne.s32 s0, $0x0;
	_ =	strace $0x9000004D  }
0x61: {  	s0 =	sadd.s32 @!p0 $0x100000, s1;
	[bflag:$0x2] =	sbarrier.arrive $0xFFFF  }
0x62: {  	[sflag:s0] =	ssyncadd.tile.s32 @!p0 $0x1;
	_ =	shalt  }
.Lfunc_end2:
_tile_overlayer_lowered:
.L_overlay_start_2:
0x63: {  	(tag) =	ssettag $0x2  }
0x64: {  	s0 =	rddreg [dreg:$0x0];
	s2 =	stileid.u32  }
0x65: {  	s1 =	rddreg [dreg:$0x1];
	p0 =	sne.s32 s2, $0x0  }
0x66: {  	s3 =	rddreg [dreg:$0x2];
	[bflag:$0x3] =	sbarrier.arrive $0xFFFF;
	s2 =	simm.s32 @!p0 $0x1C02  }
0x67: {  	[timem:s3], [sflag:s2] =	dma.local @!p0 [hbm:s0], s1  }
0x68: {  	s0 =	simm.s32 @!p0 $0x2  }
0x69: {  	_ =	swait.ge @!p0 [sflag:s0], s1  }
0x6a: {  	s1 =	ssub.s32 @!p0 $0x0, s1;
	[sflag:s0] =	ssyncset.done @!p0 $0x0  }
0x6b: {  	[sflag:s0] =	ssyncadd.s32 @!p0 s1  }
0x6c: {  	[bflag:$0x3] =	sbarrier.arrive $0xFFFF  }
0x6d: {  	_ =	shalt  }

// kernel: kernel.8.cloned.1.call-start
scs
__scs_entry_jumppad:
0x0: {  	(pc) =	sbr.rel $0x88, $3  }
0x1: {  	(tag) =	ssettag $0x0;
	lr =	simm.s32 $0x1  }
0x2: {  	[smem:$0x3F89] =	sst lr;
	_ =	strace $0xD0000000  }
0x3: {  	_ = 	snop  }
0x4: {  	_ = 	snop  }
0x5: {  	_ = 	snop  }
0x6: {  	_ = 	snop  }
0x7: {  	_ = 	snop  }
__scs_overlays_trampoline_lowered:
0x8: {  	[smem:$0x3F98] =	sst s0  }
0x9: {  	[smem:$0x3F99] =	sst s1  }
0xa: {  	[smem:$0x3F9A] =	sst s2  }
0xb: {  	[smem:$0x3F9B] =	sst s3  }
0xc: {  	[smem:$0x3F9C] =	sst s4  }
0xd: {  	[smem:$0x3F9D] =	sst s5  }
0xe: {  	[smem:$0x3F9E] =	sst s6  }
0xf: {  	[smem:$0x3F9F] =	sst s7  }
0x10: {  	[smem:$0x3FA0] =	sst s8  }
0x11: {  	[smem:$0x3FA1] =	sst s9;
	s0 =	simm.s32 @!p0 $0x0  }
0x12: {  	s1 =	sld [smem:$0x3F87];
	s0 =	simm.s32 @p0 $0x1  }
0x13: {  	[smem:$0x3FA2] =	sst s0;
	s0 =	simm.s32 @!p1 $0x0  }
0x14: {  	s2 =	sld [smem:$0x3F86];
	s0 =	simm.s32 @p1 $0x1  }
0x15: {  	[smem:$0x3FA3] =	sst s0;
	s0 =	simm.s32 @!p2 $0x0  }
0x16: {  	s3 =	sld [smem:$0x3FDB];
	s0 =	simm.s32 @p2 $0x1  }
0x17: {  	s4 =	simm.s32 $0x1BF5;
	[smem:$0x3FA5] =	sst s0  }
0x18: {  	s0 =	sld [smem:$0x3F88];
	_ =	swait.ge [sflag:s4], $0x0  }
0x19: {  	s7 =	sld [smem:$0x3F89]  }
0x1a: {  	s8 =	sadd.s32 $0xFFFFE003, lr  }
0x1b: {  	s9 =	sadd.s32 $0xFFFFFEF7, lr;
	s5 =	simm.s32 $0xFFFFFFFF;
	p2 =	slt.u32 s8, $0xFFFFF086  }
0x1c: {  	p1 =	slt.u32 s9, $0xF7A;
	s5 =	simm.s32 @!p2 $0x0  }
0x1d: {  	s5 =	simm.s32 @p1 $0x1;
	p0 =	seq.s32 s7, s2  }
0x1e: {  	s7 =	smul.u32 @!p0 $0xF7A, s2;
	p2 =	seq.s32 @!p0 s5, $0x0  }
0x1f: {  	s9 =	smul.u32 $0xF7A, s1;
	s8 =	simm.s32 @!p0 $0x1BF5;
	p2 =	por !p2, p0  }
0x20: {  	[sflag:s8] =	ssyncset.s32 @!p0 $0xFFFFF086;
	s6 =	sadd.s32 @!p0 s3, s7;
	s7 =	simm.s32 @!p0 $0x108  }
0x21: {  	s3 =	sadd.s32 s3, s9;
	s6 =	sadd.s32 @!p0 $0x88, s6;
	s7 =	simm.s32 @p2 $0x1082  }
0x22: {  	[simem:s7], [sflag:s8] =	dma.local @!p0 [hbm:s6], $0xF7A  }
0x23: {  	s9 =	sor.u32 $0xD0000000, s2;
	s6 =	simm.s32 $0x108;
	_ =	swait.ge @!p0 [sflag:s8], $0x0  }
0x24: {  	s3 =	sadd.s32 $0x88, s3;
	s6 =	simm.s32 @!p1 $0x1082;
	[sflag:s4] =	ssyncset.s32 $0xFFFFF086  }
0x25: {  	[simem:s6], [sflag:s4] =	dma.local [hbm:s3], $0xF7A  }
0x26: {  	[smem:$0x3F89] =	sst s1;
	(tag) =	ssettag s2;
	_ =	strace s9  }
0x27: {  	s1 =	sld [smem:$0x3F99]  }
0x28: {  	s2 =	sld [smem:$0x3F9A]  }
0x29: {  	s4 =	sld [smem:$0x3F9C]  }
0x2a: {  	p0 =	seq.s32 s5, $0x0;
	s5 =	sld [smem:$0x3F9D]  }
0x2b: {  	s6 =	sld [smem:$0x3F9E]  }
0x2c: {  	s7 =	sld [smem:$0x3F9F]  }
0x2d: {  	s3 =	simm.s32 $0x108;
	s8 =	sld [smem:$0x3FA0]  }
0x2e: {  	s3 =	simm.s32 @!p0 $0x1082;
	s9 =	sld [smem:$0x3FA1]  }
0x2f: {  	lr =	sadd.s32 s0, s3;
	s0 =	sld [smem:$0x3F98]  }
0x30: {  	s3 =	sld [smem:$0x3F9B]  }
0x31: {  	[smem:$0x3FA4] =	sst s10  }
0x32: {  	s10 =	sld [smem:$0x3FA2];
	_ =	sdelay $0x3  }
0x33: {  	p0 =	seq.s32 s10, $0x1;
	s10 =	sld [smem:$0x3FA4];
	_ =	sdelay $0x3  }
0x34: {  	[smem:$0x3FA4] =	sst s10  }
0x35: {  	s10 =	sld [smem:$0x3FA3];
	_ =	sdelay $0x3  }
0x36: {  	p1 =	seq.s32 s10, $0x1;
	s10 =	sld [smem:$0x3FA4];
	_ =	sdelay $0x3  }
0x37: {  	[smem:$0x3FA4] =	sst s10  }
0x38: {  	s10 =	sld [smem:$0x3FA5]  }
0x39: {  	_ = 	snop;
	(pc) =	sbr.ind lr, $3  }
0x3a: {  	_ = 	snop  }
0x3b: {  	_ = 	snop  }
0x3c: {  	p2 =	seq.s32 s10, $0x1;
	s10 =	sld [smem:$0x3FA4]  }
0x3d: {  	_ =	shalt  }
0x3e: {  	_ =	shalt  }
0x3f: {  	_ =	shalt  }
0x40: {  	_ =	shalt  }
0x41: {  	_ =	shalt  }
0x42: {  	_ =	shalt  }
0x43: {  	_ =	shalt  }
0x44: {  	_ =	shalt  }
0x45: {  	_ =	shalt  }
0x46: {  	_ =	shalt  }
0x47: {  	_ =	shalt  }
0x48: {  	_ =	shalt  }
0x49: {  	_ =	shalt  }
0x4a: {  	_ =	shalt  }
0x4b: {  	_ =	shalt  }
0x4c: {  	_ =	shalt  }
0x4d: {  	_ =	shalt  }
0x4e: {  	_ =	shalt  }
0x4f: {  	_ =	shalt  }
0x50: {  	_ =	shalt  }
0x51: {  	_ =	shalt  }
0x52: {  	_ =	shalt  }
0x53: {  	_ =	shalt  }
0x54: {  	_ =	shalt  }
0x55: {  	_ =	shalt  }
0x56: {  	_ =	shalt  }
0x57: {  	_ =	shalt  }
0x58: {  	_ =	shalt  }
0x59: {  	_ =	shalt  }
0x5a: {  	_ =	shalt  }
0x5b: {  	_ =	shalt  }
0x5c: {  	_ =	shalt  }
0x5d: {  	_ =	shalt  }
0x5e: {  	_ =	shalt  }
0x5f: {  	_ =	shalt  }
0x60: {  	_ =	shalt  }
0x61: {  	_ =	shalt  }
0x62: {  	_ =	shalt  }
0x63: {  	_ =	shalt  }
0x64: {  	_ =	shalt  }
0x65: {  	_ =	shalt  }
0x66: {  	_ =	shalt  }
0x67: {  	_ =	shalt  }
0x68: {  	_ =	shalt  }
0x69: {  	_ =	shalt  }
0x6a: {  	_ =	shalt  }
0x6b: {  	_ =	shalt  }
0x6c: {  	_ =	shalt  }
0x6d: {  	_ =	shalt  }
0x6e: {  	_ =	shalt  }
0x6f: {  	_ =	shalt  }
0x70: {  	_ =	shalt  }
0x71: {  	_ =	shalt  }
0x72: {  	_ =	shalt  }
0x73: {  	_ =	shalt  }
0x74: {  	_ =	shalt  }
0x75: {  	_ =	shalt  }
0x76: {  	_ =	shalt  }
0x77: {  	_ =	shalt  }
0x78: {  	_ =	shalt  }
0x79: {  	_ =	shalt  }
0x7a: {  	_ =	shalt  }
0x7b: {  	_ =	shalt  }
0x7c: {  	_ =	shalt  }
0x7d: {  	_ =	shalt  }
0x7e: {  	_ =	shalt  }
0x7f: {  	_ =	shalt  }
0x80: {  	_ =	shalt  }
0x81: {  	_ =	shalt  }
0x82: {  	_ =	shalt  }
0x83: {  	_ =	shalt  }
0x84: {  	_ =	shalt  }
0x85: {  	_ =	shalt  }
0x86: {  	_ =	shalt  }
0x87: {  	_ =	shalt  }
.Lfunc_end0:
.L_simem_size_0:
called_computation_lowered:
.L_overlay_start_0:
0x88: {  	s2 =	sld [smem:$0x3FD9]  }
0x89: {  	s3 =	sld [smem:$0x3FFE];
	_ =	sdelay $0x1  }
0x8a: {  	s1 =	srdreg.scid  }
0x8b: {  	s0 =	sand.u32 $0x1, s1  }
0x8c: {  	s17 =	sshll.u32 s0, $0xA;
	s2 =	sadd.s32 s3, s2  }
0x8d: {  	s2 =	sadd.s32 s2, s17  }
0x8e: {  	[smem:$0x3FB0] =	sst s2  }
0x8f: {  	_ = 	snop  }
0x90: {  	s18 =	sld [smem:$0x3FD0];
	(tm) =	ssettm $0x1  }
0x91: {  	s19 =	sld [smem:$0x3FFB];
	_ =	sdelay $0x3  }
0x92: {  	_ =	strace s19  }
0x93: {  	s2 =	sld [smem:$0x3FFC];
	_ =	sdelay $0x3  }
0x94: {  	_ =	strace s2  }
0x95: {  	s2 =	sld [smem:$0x3FFD];
	_ =	sdelay $0x3  }
0x96: {  	_ =	strace s2  }
0x97: {  	_ =	strace $0x8FFFFFFF  }
0x98: {  	s20 =	sld [smem:$0x3FDB];
	_ =	sdelay $0x1  }
0x99: {  	s4 =	simm.s32 $_scs_section_size  }
0x9a: {  	s5 =	simm.s32 $_size__tile_overlayer_lowered;
	s6 =	simm.s32 $_tile_overlayer_lowered  }
0x9b: {  	s7 =	simm.s32 $0x1BFF;
	s21 =	sshll.u32 s6, $0x1;
	s4 =	sadd.s32 s4, s20  }
0x9c: {  	s22 =	simm.s32 $0x0;
	s5 =	sshll.u32 s5, $0x1;
	s6 =	sadd.s32 s21, s4  }
0x9d: {  	[timem:s22], [sflag:s7] =	dma.local [hbm:s6], s5  }
0x9e: {  	_ =	swait.ge [sflag:s7], s5  }
0x9f: {  	s5 =	ssub.s32 $0x0, s5;
	[sflag:s7] =	ssyncset.done $0x0  }
0xa0: {  	[sflag:s7] =	ssyncadd.s32 s5;
	_ =	sdelay $0x1  }
0xa1: {  	s23 =	simm.s32 $0x1B8B  }
0xa2: {  	_ =	swait.ge [sflag:s23], $0x1  }
0xa3: {  	[sflag:s23] =	ssyncset.done $0x0  }
0xa4: {  	[sflag:s23] =	ssyncadd.s32 $0xFFFFFFFF  }
0xa5: {  	s5 =	sld [smem:$0x0]  }
0xa6: {  	s6 =	sand.u32 $0xFFFFFFFE, s1  }
0xa7: {  	p0 =	sne.s32 s1, s6  }
0xa8: {  	s6 =	sshll.u32 @p0 s6, $0xE  }
0xa9: {  	s6 =	sadd.s32 @p0 $0x11B8D, s6;
	s7 =	sshll.u32 @p0 s5, $0x11  }
0xaa: {  	s6 =	sor.u32 @p0 s7, s6  }
0xab: {  	[sflag:s6] =	ssyncadd.remote.s32 @p0 $0x1;
	_ =	sdelay $0x1  }
0xac: {  	s6 =	simm.s32 @p0 $0x1B8D  }
0xad: {  	_ =	swait.eq @p0 [sflag:s6], $0x1  }
0xae: {  	[sflag:s6] =	ssyncadd.s32 @p0 $0xFFFFFFFF  }
0xaf: {  	s7 =	sshll.u32 @!p0 s1, $0xE  }
0xb0: {  	s7 =	sor.u32 @!p0 $0x4000, s7;
	s6 =	simm.s32 @!p0 $0x1B8D  }
0xb1: {  	s5 =	sshll.u32 @!p0 s5, $0x11;
	s7 =	sadd.s32 @!p0 $0x11B8D, s7;
	_ =	swait.eq @!p0 [sflag:s6], $0x1  }
0xb2: {  	s5 =	sor.u32 @!p0 s5, s7;
	[sflag:s6] =	ssyncadd.s32 @!p0 $0xFFFFFFFF  }
0xb3: {  	s25 =	simm.s32 $0x1B8E;
	s24 =	sld [smem:$0x3FFE];
	[sflag:s5] =	ssyncadd.remote.s32 @!p0 $0x1  }
0xb4: {  	s26 =	simm.s32 $execute0_lowered;
	[smem:$0x3FD2] =	sst s25  }
0xb5: {  	s6 =	sshll.u32 s26, $0x1;
	_ =	strace $0x80000049;
	[dreg:$0x1] =	wrdreg $0xFFFFFFFF  }
0xb6: {  	s28 =	simm.s32 $_size_execute0_lowered;
	s4 =	sadd.s32 s4, s6;
	[dreg:$0x0] =	wrdreg $0x0  }
0xb7: {  	s6 =	sshll.u32 s28, $0x1;
	[dreg:$0x2] =	wrdreg s4  }
0xb8: {  	[dreg:$0x3] =	wrdreg s6  }
0xb9: {  	[dreg:$0x4] =	wrdreg $0xC0  }
0xba: {  	_ =	task [dreg:s22], $0x5FFFF  }
0xbb: {  	[dreg:$0x1] =	wrdreg $0xFFFFFFFF  }
0xbc: {  	[dreg:$0x0] =	wrdreg $0x60  }
0xbd: {  	[dreg:$0x2] =	wrdreg s24  }
0xbe: {  	[dreg:$0x3] =	wrdreg s18  }
0xbf: {  	[dreg:$0x4] =	wrdreg $0x0  }
0xc0: {  	[dreg:$0x5] =	wrdreg $0x9  }
0xc1: {  	_ =	task.clear_ibuf [dreg:s22], $0x6FFFF;
	_ =	strace $0x90000049  }
0xc2: {  	s29 =	simm.s32 $0x9;
	_ =	strace $0x8000004B  }
0xc3: {  	_ =	swait.ge [sflag:s29], $0x1  }
0xc4: {  	[sflag:s29] =	ssyncadd.s32 $0xFFFFFFFF  }
0xc5: {  	_ =	strace $0x9000004B  }
0xc6: {  	_ =	sfence  }
0xc7: {  	s30 =	sld [smem:$0x0];
	_ =	sdelay $0x2  }
0xc8: {  	s31 =	sshll.u32 s1, $0xD;
	s1 =	sshrl.u32 s1, $0x2  }
0xc9: {  	s4 =	sand.u32 $0x4000, s31;
	s1 =	sadd.s32 s1, s30  }
0xca: {  	s0 =	sor.u32 s4, s0;
	s1 =	sshll.u32 s1, $0x11  }
0xcb: {  	s0 =	sor.u32 s1, s0  }
0xcc: {  	s0 =	sadd.s32 $0x8F2B, s0  }
0xcd: {  	[sflag:s0] =	ssyncadd.remote.s32 $0x1  }
0xce: {  	_ =	sfence.sel $0xFFFF  }
0xcf: {  	[dreg:$0x0] =	wrdreg $0xFFFFFFFF;
	(pc) =	sbr.abs _section_cstart, $3  }
0xd0: {  	[dreg:$0x1] =	wrdreg $0xFFFFFFFF  }
0xd1: {  	_ =	task.clear_ibuf [dreg:s22], $0x2FFFF;
	_ =	strace $0x9FFFFFFF  }
0xd2: {  	(tm) =	ssettm $0x7FFFFFFF  }
0xd3: {  	_ =	shalt  }
tec
execute0_lowered:
.L_overlay_start_1:
0x0: {  	(tag) =	ssettag $0x1  }
0x1: {  	s6 =	rddreg [dreg:$0x0]  }
0x2: {  	s2 =	rddreg [dreg:$0x1]  }
0x3: {  	s0 =	stileid.u32;
	s1 =	srdreg.scid  }
0x4: {  	s3 =	rddreg [dreg:$0x2];
	s4 =	simm.s32 $0x0;
	s12 =	simm.s32 $0x62A0  }
0x5: {  	s13 =	simm.s32 $0x6200;
	s14 =	simm.s32 $0x50;
	s5 =	smul.u32 $0x186A, s0  }
0x6: {  	s7 =	sand.u32 $0x1, s1;
	s1 =	rddreg [dreg:$0x3];
	s8 =	smul.u32 $0x620, s0  }
0x7: {  	s15 =	simm.s32 $0x6250;
	[smem:$0x7FF] =	sst s4;
	s10 =	smul.u32 $0x18800, s0  }
0x8: {  	s31 =	sshll.u32 s0, $0x6;
	p0 =	seq.s32 s0, $0xF;
	s16 =	smul.u32 $0x61A8, s7  }
0x9: {  	_ =	strace $0x8000004A;
	s7 =	ssub.s32 $0x2, s7;
	s9 =	sadd.s32 s5, s6  }
0xa: {  	s5 =	sadd.s32 $0xFAA00, s6;
	s30 =	sshrl.u32 s7, $0x1;
	s10 =	sshrl.u32 s10, $0x2  }
0xb: {  	s8 =	sadd.s32 s8, s16;
	s11 =	ssub.s32 s7, s30;
	s17 =	sadd.s32 s10, s3  }
0xc: {  	s18 =	sadd.s32 $0x61A8, s16;
	s9 =	sadd.s32 $0x3000, s9;
	s8 =	sshll.u32 s8, $0x1  }
0xd: {  	v0 =	vmov s16;
	s10 =	sshrl.u32 s17, $0x3;
	s16 =	sshrl.u32 @p0 s17, $0x3;
	s17 =	sshrl.u32 @!p0 s17, $0x3  }
0xe: {  	v2 =	vlaneseq.u32;
	v1 =	vmov s18;
	s18 =	simm.s32 $0x0;
	s8 =	sadd.s32 s8, s6;
	s6 =	sor.u32 $0x1C01, s31  }
0xf: {  	v2 =	vor.u32 $0x61A8, v2;
	s7 =	sadd.s32 $0xFAC00, s8;
	s8 =	smax.u32 s11, $0x1;
	s11 =	simm.s32 $0x1  }
.LBB2_1:
0x10: {  	[spmem:s10], [sflag:s6] =	dma.local [hbm:s2], $0xC40  }
0x11: {  	_ =	swait.ge [sflag:s11], $0xC40  }
0x12: {  	[sflag:s11] =	ssyncset.done $0x0  }
0x13: {  	[sflag:s11] =	ssyncadd.s32 $0xFFFFF3C0  }
0x14: {  	[tilespmem:s12], [sflag:$0x1] =	stream.linear.gather [hbm4b:s5+s4], $0x500, $0x38;
	[tilespmem:$0x67A0] =	vst v63  }
0x15: {  	_ =	swait.ge [sflag:s11], $0x500  }
0x16: {  	[sflag:s11] =	ssyncset.done $0x0  }
0x17: {  	[sflag:s11] =	ssyncadd.s32 $0xFFFFFB00  }
0x18: {  	s19 =	sadd.s32 $0x0, s9;
	[bflag:$0x0] =	sbarrier.arrive $0xFFFF  }
0x19: {  	[tilespmem:s13], [sflag:$0x1] =	stream.linear.gather [hbm4b:s19+s4], $0x50, $0x38;
	[tilespmem:$0x67A0] =	vst v63  }
0x1a: {  	_ =	swait.ge [sflag:s11], $0x50  }
0x1b: {  	[sflag:s11] =	ssyncset.done $0x0  }
0x1c: {  	[sflag:s11] =	ssyncadd.s32 $0xFFFFFFB0  }
0x1d: {  	v3 =	vld [tilespmem:$0x6240]  }
0x1e: {  	v4 =	vld [tilespmem:$0x6230]  }
0x1f: {  	v5 =	vld [tilespmem:$0x6210]  }
0x20: {  	v6 =	vld [tilespmem:$0x6200];
	_ =	sdelay $0x1  }
0x21: {  	v7 =	vld [tilespmem:$0x6220]  }
0x22: {  	vm0 =	vge.s32 v3, v0;
	vm1 =	vlt.s32 v3, v1;
	v3 =	vsub.s32 v3, v0  }
0x23: {  	vm2 =	vge.s32 v4, v0;
	vm3 =	vlt.s32 v4, v1;
	v8 =	vsub.s32 v4, v0  }
0x24: {  	v4 =	vsub.s32 v6, v0;
	v9 =	vsub.s32 v5, v0;
	vm0 =	vmand vm0, vm1  }
0x25: {  	vm1 =	vlt.s32 v5, v1;
	vm2 =	vmand vm2, vm3;
	vm3 =	vge.s32 v5, v0  }
0x26: {  	vm4 =	vlt.s32 v6, v1;
	v5 =	vsub.s32 v7, v0;
	vm1 =	vmand vm3, vm1  }
0x27: {  	vm3 =	vge.s32 v6, v0;
	v6 =	vsel vm2, v8, v2;
	v9 =	vsel vm1, v9, v2  }
0x28: {  	s19 =	simm.s32 $0xA;
	vm2 =	vge.s32 v7, v0;
	vm1 =	vmand vm3, vm4;
	vm3 =	vlt.s32 v7, v1;
	[tilespmem:$0x6260] =	vst v9  }
.LBB2_2:
0x29: {  	p1 =	sne.s32 s19, $0x1860;
	vm2 =	vmand vm2, vm3;
	[tilespmem:$0x6280] =	vst v6;
	v3 =	vsel vm0, v3, v2;
	s20 =	smov.u32 s19;
	s19 =	sadd.s32 $0xA, s19  }
0x2a: {  	v4 =	vsel vm1, v4, v2;
	v5 =	vsel vm2, v5, v2;
	[tilespmem:$0x6290] =	vst v3  }
0x2b: {  	[tilespmem:$0x6270] =	vst v5  }
0x2c: {  	[tilespmem:$0x6250] =	vst v4  }
0x2d: {  	[spmem:s3] =	stream.indirect.scatter.add.f32 [tilespmem:s12], [sflag:$0x1], $0x10, s15, s14, $0xb8;
	[tilespmem:$0x67A0] =	vst v63  }
0x2e: {  	_ =	swait.ge [sflag:s11], $0x500  }
0x2f: {  	[sflag:s11] =	ssyncset.done $0x0  }
0x30: {  	s20 =	sadd.s32 s20, s9;
	[sflag:s11] =	ssyncadd.s32 $0xFFFFFB00  }
0x31: {  	[tilespmem:s13], [sflag:$0x1] =	stream.linear.gather [hbm4b:s20+s4], $0x50, $0x38;
	[tilespmem:$0x67A0] =	vst v63  }
0x32: {  	_ =	swait.ge [sflag:s11], $0x50  }
0x33: {  	[sflag:s11] =	ssyncset.done $0x0  }
0x34: {  	[sflag:s11] =	ssyncadd.s32 $0xFFFFFFB0  }
0x35: {  	v3 =	vld [tilespmem:$0x6240]  }
0x36: {  	v4 =	vld [tilespmem:$0x6230]  }
0x37: {  	v5 =	vld [tilespmem:$0x6210]  }
0x38: {  	v6 =	vld [tilespmem:$0x6200]  }
0x39: {  	v7 =	vld [tilespmem:$0x6220]  }
0x3a: {  	vm0 =	vge.s32 v3, v0;
	vm1 =	vlt.s32 v3, v1;
	v3 =	vsub.s32 v3, v0  }
0x3b: {  	vm2 =	vge.s32 v4, v0;
	vm3 =	vlt.s32 v4, v1;
	vm0 =	vmand vm0, vm1  }
.Ltmp0:
0x3c: {  	v8 =	vsub.s32 v4, v0;
	vm1 =	vlt.s32 v5, v1;
	vm2 =	vmand vm2, vm3;
	(pc) =	sbr.rel @p1 .LBB2_2-.Ltmp0, $4  }
0x3d: {  	vm3 =	vge.s32 v5, v0;
	v9 =	vsub.s32 v5, v0;
	v4 =	vsub.s32 v6, v0  }
0x3e: {  	vm4 =	vlt.s32 v6, v1;
	vm1 =	vmand vm3, vm1;
	v5 =	vsub.s32 v7, v0  }
0x3f: {  	vm3 =	vge.s32 v6, v0;
	v6 =	vsel vm2, v8, v2;
	v9 =	vsel vm1, v9, v2  }
0x40: {  	vm1 =	vmand vm3, vm4;
	vm2 =	vge.s32 v7, v0;
	vm3 =	vlt.s32 v7, v1;
	[tilespmem:$0x6260] =	vst v9  }
0x41: {  	vm2 =	vmand vm2, vm3;
	[tilespmem:$0x6280] =	vst v6;
	v3 =	vsel vm0, v3, v2  }
0x42: {  	v5 =	vsel vm2, v5, v2;
	[tilespmem:$0x6290] =	vst v3  }
0x43: {  	v3 =	vsel vm1, v4, v2;
	[tilespmem:$0x6270] =	vst v5  }
0x44: {  	[tilespmem:$0x6250] =	vst v3  }
0x45: {  	[spmem:s3] =	stream.indirect.scatter.add.f32 [tilespmem:s12], [sflag:$0x1], $0x10, s15, s14, $0xb8;
	[tilespmem:$0x67A0] =	vst v63  }
0x46: {  	_ =	swait.ge [sflag:s11], $0x500  }
0x47: {  	[sflag:s11] =	ssyncset.done $0x0  }
0x48: {  	[sflag:s11] =	ssyncadd.s32 $0xFFFFFB00  }
0x49: {  	s19 =	simm.s32 @p0 $0x1;
	[bflag:$0x0] =	sbarrier.arrive $0xFFFF  }
0x4a: {  	[hbm:s7], [sflag:s6] =	dma.local @p0 [spmem:s16], $0xB90  }
0x4b: {  	s18 =	sadd.s32 $0x1, s18;
	_ =	swait.ge @p0 [sflag:s19], $0xB90  }
0x4c: {  	p1 =	sne.s32 s18, s8;
	[sflag:s19] =	ssyncset.done @p0 $0x0  }
.Ltmp1:
0x4d: {  	[sflag:s19] =	ssyncadd.s32 @p0 $0xFFFFF470;
	s19 =	simm.s32 @!p0 $0x1;
	(pc) =	sbr.rel @p1 .LBB2_1-.Ltmp1, $4  }
0x4e: {  	[hbm:s7], [sflag:s6] =	dma.local @!p0 [spmem:s17], $0xC40  }
0x4f: {  	_ =	swait.ge @!p0 [sflag:s19], $0xC40  }
0x50: {  	[sflag:s19] =	ssyncset.done @!p0 $0x0  }
0x51: {  	[sflag:s19] =	ssyncadd.s32 @!p0 $0xFFFFF3C0  }
0x52: {  	_ =	sfence.sel $0x180000  }
0x53: {  	[bflag:$0x0] =	sbarrier.arrive $0xFFFF  }
0x54: {  	p0 =	sne.s32 s0, $0x0;
	_ =	strace $0x9000004A  }
0x55: {  	s0 =	sadd.s32 @!p0 $0x100000, s1;
	[bflag:$0x2] =	sbarrier.arrive $0xFFFF  }
0x56: {  	[sflag:s0] =	ssyncadd.tile.s32 @!p0 $0x1;
	_ =	shalt  }
.Lfunc_end2:
_tile_overlayer_lowered:
.L_overlay_start_2:
0x57: {  	(tag) =	ssettag $0x2  }
0x58: {  	s0 =	rddreg [dreg:$0x0];
	s2 =	stileid.u32  }
0x59: {  	s1 =	rddreg [dreg:$0x1];
	p0 =	sne.s32 s2, $0x0  }
0x5a: {  	s3 =	rddreg [dreg:$0x2];
	[bflag:$0x3] =	sbarrier.arrive $0xFFFF;
	s2 =	simm.s32 @!p0 $0x1C01  }
0x5b: {  	[timem:s3], [sflag:s2] =	dma.local @!p0 [hbm:s0], s1  }
0x5c: {  	s0 =	simm.s32 @!p0 $0x1  }
0x5d: {  	_ =	swait.ge @!p0 [sflag:s0], s1  }
0x5e: {  	s1 =	ssub.s32 @!p0 $0x0, s1;
	[sflag:s0] =	ssyncset.done @!p0 $0x0  }
0x5f: {  	[sflag:s0] =	ssyncadd.s32 @!p0 s1  }
0x60: {  	[bflag:$0x3] =	sbarrier.arrive $0xFFFF  }
0x61: {  	_ =	shalt  }

</sc_bundles>
